<compile_context>
chip_gen: v7x
topology: tpu7x:2x2x1
jax: 0.10.2.dev20260603
libtpu: 0.0.44.dev20260713+nightly
codegen_flags: <defaults>
</compile_context>

<pallas_src>
import functools

import jax
import jax.numpy as jnp
from jax import lax
from jax.experimental import pallas as pl
from jax.experimental.pallas import tpu as pltpu
from jax.experimental.pallas import tpu_sc as plsc

B, N, M = 4, 16384, 1024
C_FEAT = 64
C_PREV = 64
C_OUT = 64

TILE_N = 1024


def _knn_body(xyzt_ref, xyzp_ref, iout_ref, wout_ref):
    q = xyzt_ref[...]
    k = xyzp_ref[...]

    d2 = jnp.zeros((M, TILE_N), jnp.float32)
    for c in range(3):
        diff = k[:, c:c + 1] - q[c:c + 1, :]
        d2 = d2 + diff * diff

    iota = jax.lax.broadcasted_iota(jnp.int32, (M, TILE_N), 0)
    bits = jax.lax.bitcast_convert_type(d2, jnp.int32) + (M // 2)
    keys = (bits & ~(M - 1)) | iota

    kcur = keys
    idxs = []
    invs = []
    tot = jnp.zeros((1, TILE_N), jnp.float32)
    for kk in range(3):
        fcur = jax.lax.bitcast_convert_type(kcur, jnp.float32)
        mkf = jnp.min(fcur, axis=0, keepdims=True)
        mk = jax.lax.bitcast_convert_type(mkf, jnp.int32)
        d2k = jax.lax.bitcast_convert_type(mk & ~(M - 1), jnp.float32)
        inv = 1.0 / (jnp.sqrt(d2k) + 1e-8)
        tot = tot + inv
        idxs.append(mk & (M - 1))
        invs.append(inv)
        if kk < 2:
            kcur = jnp.where(kcur == mk, jnp.int32(0x7F7FFFFF), kcur)

    iout_ref[...] = jnp.concatenate(idxs, axis=0)
    rtot = 1.0 / tot
    wcat = jnp.concatenate([w * rtot for w in invs], axis=0)
    wout_ref[...] = jnp.transpose(wcat)


def _knn_call(xyzt_b, xyzp_b):
    return pl.pallas_call(
        _knn_body,
        grid=(N // TILE_N,),
        in_specs=[
            pl.BlockSpec((3, TILE_N), lambda t: (0, t)),
            pl.BlockSpec((M, 3), lambda t: (0, 0)),
        ],
        out_specs=[
            pl.BlockSpec((3, TILE_N), lambda t: (0, t)),
            pl.BlockSpec((TILE_N, 3), lambda t: (t, 0)),
        ],
        out_shape=[
            jax.ShapeDtypeStruct((3, N), jnp.int32),
            jax.ShapeDtypeStruct((N, 3), jnp.float32),
        ],
    )(xyzt_b, xyzp_b)


def _mlp_body(g_ref, wt_ref, feat_ref, w1a_ref, w1b_ref, b1_ref, out_ref):
    wt = wt_ref[...]
    interp = g_ref[0, :, :C_PREV] * wt[:, 0:1]
    interp = interp + g_ref[1, :, :C_PREV] * wt[:, 1:2]
    interp = interp + g_ref[2, :, :C_PREV] * wt[:, 2:3]
    h = (jax.lax.dot_general(w1a_ref[...], interp, (((1,), (1,)), ((), ())),
                             preferred_element_type=jnp.float32)
         + jnp.dot(w1b_ref[...], feat_ref[...], preferred_element_type=jnp.float32)
         + b1_ref[...])
    out_ref[...] = jnp.maximum(h, 0.0)


def _mlp_call(g_b, wout_b, feat_b, w1a, w1b, b1c):
    return pl.pallas_call(
        _mlp_body,
        grid=(N // TILE_N,),
        in_specs=[
            pl.BlockSpec((3, TILE_N, 128), lambda t: (0, t, 0)),
            pl.BlockSpec((TILE_N, 3), lambda t: (t, 0)),
            pl.BlockSpec((C_FEAT, TILE_N), lambda t: (0, t)),
            pl.BlockSpec((C_OUT, C_PREV), lambda t: (0, 0)),
            pl.BlockSpec((C_OUT, C_FEAT), lambda t: (0, 0)),
            pl.BlockSpec((C_OUT, 1), lambda t: (0, 0)),
        ],
        out_specs=pl.BlockSpec((C_OUT, TILE_N), lambda t: (0, t)),
        out_shape=jax.ShapeDtypeStruct((C_OUT, N), jnp.float32),
    )(g_b, wout_b, feat_b, w1a, w1b, b1c)


def _sc_gather(table, idx_flat, total):
    info = plsc.get_sparse_core_info()
    nc, ns = info.num_cores, info.num_subcores
    nw = nc * ns
    chunk = total // nw
    piece = 384

    mesh = plsc.VectorSubcoreMesh(core_axis_name="c", subcore_axis_name="s")

    @functools.partial(
        pl.kernel, mesh=mesh,
        out_type=jax.ShapeDtypeStruct((total, 128), jnp.float32),
        scratch_types=[
            pltpu.VMEM((chunk,), jnp.int32),
            pltpu.VMEM((piece, 128), jnp.float32),
            pltpu.VMEM((piece, 128), jnp.float32),
            pltpu.SemaphoreType.DMA,
            pltpu.SemaphoreType.DMA,
        ],
    )
    def gather_kernel(table_hbm, idx_hbm, out_hbm, idx_v, rows0, rows1, sem0, sem1):
        wid = lax.axis_index("s") * nc + lax.axis_index("c")
        base = wid * chunk
        pltpu.sync_copy(idx_hbm.at[pl.ds(base, chunk)], idx_v)
        bufs = (rows0, rows1)
        sems = (sem0, sem1)
        nump = chunk // piece
        cp = pltpu.async_copy(
            table_hbm.at[idx_v.at[pl.ds(0, piece)]], bufs[0], sems[0])
        for p in range(nump):
            cur = p % 2
            cp.wait()
            if p + 1 < nump:
                cp = pltpu.async_copy(
                    table_hbm.at[idx_v.at[pl.ds((p + 1) * piece, piece)]],
                    bufs[1 - cur], sems[1 - cur])
            pltpu.sync_copy(bufs[cur], out_hbm.at[pl.ds(base + p * piece, piece)])

    return gather_kernel(table, idx_flat)


@jax.jit
def kernel(xyz, xyz_prev, features, features_prev, W1, b1):
    xyzt = jnp.transpose(xyz, (0, 2, 1))
    w1a = W1[:, :C_PREV]
    w1b = W1[:, C_PREV:]
    b1c = b1[:, None]

    table = jnp.transpose(features_prev, (0, 2, 1)).reshape(B * M, C_PREV)
    table = jnp.pad(table, ((0, 0), (0, 128 - C_PREV)))

    knn = [_knn_call(xyzt[b], xyz_prev[b]) for b in range(B)]
    gs = []
    for p in range(B // 2):
        idx_pair = jnp.concatenate(
            [knn[2 * p + i][0].reshape(-1) + (2 * p + i) * M for i in range(2)])
        g_pair = _sc_gather(table, idx_pair, 2 * 3 * N)
        gs.extend(jnp.split(g_pair, 2, axis=0))
    outs = [
        _mlp_call(gs[b].reshape(3, N, 128), knn[b][1], features[b], w1a, w1b, b1c)
        for b in range(B)
    ]
    return jnp.stack(outs)

# --- scband reference (transcript-rebuilt; emitter-appended) ---
"""Pipeline reference for scband-point-net2-feature-propagator-53506702574032 (READ-ONLY COPY).

The authoritative reference and input builder live on the scoring server;
editing this copy changes nothing except your own understanding.
"""

import jax, jax.numpy as jnp
import numpy as np

B, N, M = 4, 16384, 1024
C_FEAT = 64
C_PREV = 64
C_OUT = 64


def setup_inputs(seed: int = 0):
    key = jax.random.key(seed)
    ks = jax.random.split(key, 6)
    xyz = jax.random.normal(ks[0], (B, N, 3), dtype=jnp.float32)
    xyz_prev = jax.random.normal(ks[1], (B, M, 3), dtype=jnp.float32)
    features = jax.random.normal(ks[2], (B, C_FEAT, N), dtype=jnp.float32)
    features_prev = jax.random.normal(ks[3], (B, C_PREV, M), dtype=jnp.float32)
    W1 = jax.random.normal(ks[4], (C_OUT, C_FEAT + C_PREV), dtype=jnp.float32) * 0.05
    b1 = jnp.zeros((C_OUT,), dtype=jnp.float32)
    return {"xyz": xyz, "xyz_prev": xyz_prev, "features": features,
            "features_prev": features_prev, "W1": W1, "b1": b1}


def _three_nn(unknown, known):
    # unknown: (B, n, 3), known: (B, m, 3) -> dist (B, n, 3), idx (B, n, 3)
    d2 = jnp.sum((unknown[:, :, None, :] - known[:, None, :, :]) ** 2, axis=-1)
    neg_d2, idx = jax.lax.top_k(-d2, 3)
    dist = jnp.sqrt(jnp.maximum(-neg_d2, 0.0))
    return dist, idx


def _three_interpolate(features, idx, weight):
    # features: (B, c, m), idx: (B, n, 3), weight: (B, n, 3) -> (B, c, n)
    gathered = jax.vmap(lambda f, i: f[:, i])(features, idx)  # (B, c, n, 3)
    return jnp.sum(gathered * weight[:, None, :, :], axis=-1)


def reference(xyz, xyz_prev, features, features_prev, W1, b1):
    dist, idx = _three_nn(xyz, xyz_prev)
    # ThreeNN backward returns None in torch: non-differentiable
    dist = jax.lax.stop_gradient(dist)
    idx = jax.lax.stop_gradient(idx)
    inverse_dist = 1.0 / (dist + 1e-8)
    total_inverse_dist = jnp.sum(inverse_dist, axis=2, keepdims=True)
    weights = inverse_dist / total_inverse_dist
    new_features = _three_interpolate(features_prev, idx, weights)  # (B, C_PREV, N)
    new_features = jnp.concatenate([new_features, features], axis=1)  # (B, C_PREV+C_FEAT, N)
    # Conv1d kernel-size-1 == per-point linear; batchnorm=False, then ReLU
    x = jnp.einsum('oc,bcn->bon', W1, new_features) + b1[None, :, None]
    return jax.nn.relu(x)

if __name__ == "__main__":
    import jax
    _d = setup_inputs()
    print(jax.jit(kernel)(*tuple(_d.values())))

</pallas_src>

<mosaic_0001>
#map = affine_map<(d0, d1) -> (0, 0)>
#map1 = affine_map<(d0, d1) -> (0)>
module attributes {stable_mosaic.version = 14 : i64} {
  func.func @gather_kernel(%arg0: i32, %arg1: i32, %arg2: memref<4096x128xf32, #tpu.memory_space<hbm>>, %arg3: memref<98304xi32, #tpu.memory_space<hbm>>, %arg4: memref<98304x128xf32, #tpu.memory_space<hbm>>, %arg5: memref<3072xi32, #tpu.memory_space<vmem>>, %arg6: memref<384x128xf32, #tpu.memory_space<vmem>>, %arg7: memref<384x128xf32, #tpu.memory_space<vmem>>, %arg8: memref<!tpu.dma_semaphore, #tpu.memory_space<semaphore_mem>>, %arg9: memref<!tpu.dma_semaphore, #tpu.memory_space<semaphore_mem>>) attributes {dimension_semantics = [#tpu.dimension_semantics<core_parallel>, #tpu.dimension_semantics<subcore_parallel>], iteration_bounds = array<i64: 2, 16>, scalar_prefetch = 0 : i64, scratch_operands = 5 : i64, tpu.core_type = #tpu.core_type<sc_vector_subcore>, window_params = [{transform_indices = #map}, {transform_indices = #map1}, {transform_indices = #map}]} {
    %mul3A = arith.constant 2 : i32
    %mul3A_0 = arith.muli %arg1, %mul3A : i32
    %add3A = arith.addi %mul3A_0, %arg0 : i32
    %mul3A_1 = arith.constant 3072 : i32
    %mul3A_2 = arith.muli %add3A, %mul3A_1 : i32
    "tpu.region"() ({
      %run_scoped3A = tpu.sem_alloc : memref<!tpu.dma_semaphore, #tpu.memory_space<semaphore_mem>>
      %dma_start3A_97 = tpu.memref_slice %arg3[%mul3A_2] : memref<98304xi32, #tpu.memory_space<hbm>> -> memref<3072xi32, #tpu.memory_space<hbm>>
      %dma_start3A_98 = tpu.memref_slice %arg3[%mul3A_2] : memref<98304xi32, #tpu.memory_space<hbm>> -> memref<3072xi32, #tpu.memory_space<hbm>>
      tpu.enqueue_dma source(%dma_start3A_98 : memref<3072xi32, #tpu.memory_space<hbm>>) target(%arg5 : memref<3072xi32, #tpu.memory_space<vmem>>) target_semaphore(%run_scoped3A : memref<!tpu.dma_semaphore, #tpu.memory_space<semaphore_mem>>)
      %dma_wait3A_99 = tpu.memref_slice %arg3[%mul3A_2] : memref<98304xi32, #tpu.memory_space<hbm>> -> memref<3072xi32, #tpu.memory_space<hbm>>
      %dma_wait3A_100 = tpu.memref_slice %arg3[%mul3A_2] : memref<98304xi32, #tpu.memory_space<hbm>> -> memref<3072xi32, #tpu.memory_space<hbm>>
      tpu.wait_dma2 semaphore(%run_scoped3A : memref<!tpu.dma_semaphore, #tpu.memory_space<semaphore_mem>>) src(%dma_wait3A_100 : memref<3072xi32, #tpu.memory_space<hbm>>) dst(%arg5 : memref<3072xi32, #tpu.memory_space<vmem>>)
      tpu.yield
    }) : () -> ()
    %dma_start3A = arith.constant 0 : i32
    %dma_start3A_3 = tpu.memref_slice %arg5[%dma_start3A] : memref<3072xi32, #tpu.memory_space<vmem>> -> memref<384xi32, #tpu.memory_space<vmem>>
    %dma_start3A_4 = arith.constant 0 : i32
    %dma_start3A_5 = arith.constant 0 : i32
    %dma_start3A_6 = tpu.memref_slice %arg2[%dma_start3A_4, %dma_start3A_5] : memref<4096x128xf32, #tpu.memory_space<hbm>> -> memref<4096x128xf32, #tpu.memory_space<hbm>>
    tpu.enqueue_indirect_dma source(%dma_start3A_6 : memref<4096x128xf32, #tpu.memory_space<hbm>>) target(%arg6 : memref<384x128xf32, #tpu.memory_space<vmem>>) offsets(%dma_start3A_3 : memref<384xi32, #tpu.memory_space<vmem>>) semaphore(%arg8 : memref<!tpu.dma_semaphore, #tpu.memory_space<semaphore_mem>>)
    %dma_wait3A = arith.constant 0 : i32
    %dma_wait3A_7 = tpu.memref_slice %arg5[%dma_wait3A] : memref<3072xi32, #tpu.memory_space<vmem>> -> memref<384xi32, #tpu.memory_space<vmem>>
    %dma_wait3A_8 = arith.constant 0 : i32
    %dma_wait3A_9 = arith.constant 0 : i32
    %dma_wait3A_10 = tpu.memref_slice %arg2[%dma_wait3A_8, %dma_wait3A_9] : memref<4096x128xf32, #tpu.memory_space<hbm>> -> memref<4096x128xf32, #tpu.memory_space<hbm>>
    tpu.wait_indirect_dma semaphore(%arg8 : memref<!tpu.dma_semaphore, #tpu.memory_space<semaphore_mem>>) src(%dma_wait3A_10 : memref<4096x128xf32, #tpu.memory_space<hbm>>) dst(%arg6 : memref<384x128xf32, #tpu.memory_space<vmem>>)
    %dma_start3A_11 = arith.constant 384 : i32
    %dma_start3A_12 = tpu.memref_slice %arg5[%dma_start3A_11] : memref<3072xi32, #tpu.memory_space<vmem>> -> memref<384xi32, #tpu.memory_space<vmem>>
    %dma_start3A_13 = arith.constant 0 : i32
    %dma_start3A_14 = arith.constant 0 : i32
    %dma_start3A_15 = tpu.memref_slice %arg2[%dma_start3A_13, %dma_start3A_14] : memref<4096x128xf32, #tpu.memory_space<hbm>> -> memref<4096x128xf32, #tpu.memory_space<hbm>>
    tpu.enqueue_indirect_dma source(%dma_start3A_15 : memref<4096x128xf32, #tpu.memory_space<hbm>>) target(%arg7 : memref<384x128xf32, #tpu.memory_space<vmem>>) offsets(%dma_start3A_12 : memref<384xi32, #tpu.memory_space<vmem>>) semaphore(%arg9 : memref<!tpu.dma_semaphore, #tpu.memory_space<semaphore_mem>>)
    %add3A_16 = arith.constant 0 : i32
    %add3A_17 = arith.addi %mul3A_2, %add3A_16 : i32
    "tpu.region"() ({
      %run_scoped3A = tpu.sem_alloc : memref<!tpu.dma_semaphore, #tpu.memory_space<semaphore_mem>>
      %dma_start3A_97 = arith.constant 0 : i32
      %dma_start3A_98 = tpu.memref_slice %arg4[%add3A_17, %dma_start3A_97] : memref<98304x128xf32, #tpu.memory_space<hbm>> -> memref<384x128xf32, #tpu.memory_space<hbm>>
      %dma_start3A_99 = arith.constant 0 : i32
      %dma_start3A_100 = tpu.memref_slice %arg4[%add3A_17, %dma_start3A_99] : memref<98304x128xf32, #tpu.memory_space<hbm>> -> memref<384x128xf32, #tpu.memory_space<hbm>>
      tpu.enqueue_dma source(%arg6 : memref<384x128xf32, #tpu.memory_space<vmem>>) target(%dma_start3A_100 : memref<384x128xf32, #tpu.memory_space<hbm>>) target_semaphore(%run_scoped3A : memref<!tpu.dma_semaphore, #tpu.memory_space<semaphore_mem>>)
      %dma_wait3A_101 = arith.constant 0 : i32
      %dma_wait3A_102 = tpu.memref_slice %arg4[%add3A_17, %dma_wait3A_101] : memref<98304x128xf32, #tpu.memory_space<hbm>> -> memref<384x128xf32, #tpu.memory_space<hbm>>
      %dma_wait3A_103 = arith.constant 0 : i32
      %dma_wait3A_104 = tpu.memref_slice %arg4[%add3A_17, %dma_wait3A_103] : memref<98304x128xf32, #tpu.memory_space<hbm>> -> memref<384x128xf32, #tpu.memory_space<hbm>>
      tpu.wait_dma2 semaphore(%run_scoped3A : memref<!tpu.dma_semaphore, #tpu.memory_space<semaphore_mem>>) src(%arg6 : memref<384x128xf32, #tpu.memory_space<vmem>>) dst(%dma_wait3A_104 : memref<384x128xf32, #tpu.memory_space<hbm>>)
      tpu.yield
    }) : () -> ()
    %dma_wait3A_18 = arith.constant 384 : i32
    %dma_wait3A_19 = tpu.memref_slice %arg5[%dma_wait3A_18] : memref<3072xi32, #tpu.memory_space<vmem>> -> memref<384xi32, #tpu.memory_space<vmem>>
    %dma_wait3A_20 = arith.constant 0 : i32
    %dma_wait3A_21 = arith.constant 0 : i32
    %dma_wait3A_22 = tpu.memref_slice %arg2[%dma_wait3A_20, %dma_wait3A_21] : memref<4096x128xf32, #tpu.memory_space<hbm>> -> memref<4096x128xf32, #tpu.memory_space<hbm>>
    tpu.wait_indirect_dma semaphore(%arg9 : memref<!tpu.dma_semaphore, #tpu.memory_space<semaphore_mem>>) src(%dma_wait3A_22 : memref<4096x128xf32, #tpu.memory_space<hbm>>) dst(%arg7 : memref<384x128xf32, #tpu.memory_space<vmem>>)
    %dma_start3A_23 = arith.constant 768 : i32
    %dma_start3A_24 = tpu.memref_slice %arg5[%dma_start3A_23] : memref<3072xi32, #tpu.memory_space<vmem>> -> memref<384xi32, #tpu.memory_space<vmem>>
    %dma_start3A_25 = arith.constant 0 : i32
    %dma_start3A_26 = arith.constant 0 : i32
    %dma_start3A_27 = tpu.memref_slice %arg2[%dma_start3A_25, %dma_start3A_26] : memref<4096x128xf32, #tpu.memory_space<hbm>> -> memref<4096x128xf32, #tpu.memory_space<hbm>>
    tpu.enqueue_indirect_dma source(%dma_start3A_27 : memref<4096x128xf32, #tpu.memory_space<hbm>>) target(%arg6 : memref<384x128xf32, #tpu.memory_space<vmem>>) offsets(%dma_start3A_24 : memref<384xi32, #tpu.memory_space<vmem>>) semaphore(%arg8 : memref<!tpu.dma_semaphore, #tpu.memory_space<semaphore_mem>>)
    %add3A_28 = arith.constant 384 : i32
    %add3A_29 = arith.addi %mul3A_2, %add3A_28 : i32
    "tpu.region"() ({
      %run_scoped3A = tpu.sem_alloc : memref<!tpu.dma_semaphore, #tpu.memory_space<semaphore_mem>>
      %dma_start3A_97 = arith.constant 0 : i32
      %dma_start3A_98 = tpu.memref_slice %arg4[%add3A_29, %dma_start3A_97] : memref<98304x128xf32, #tpu.memory_space<hbm>> -> memref<384x128xf32, #tpu.memory_space<hbm>>
      %dma_start3A_99 = arith.constant 0 : i32
      %dma_start3A_100 = tpu.memref_slice %arg4[%add3A_29, %dma_start3A_99] : memref<98304x128xf32, #tpu.memory_space<hbm>> -> memref<384x128xf32, #tpu.memory_space<hbm>>
      tpu.enqueue_dma source(%arg7 : memref<384x128xf32, #tpu.memory_space<vmem>>) target(%dma_start3A_100 : memref<384x128xf32, #tpu.memory_space<hbm>>) target_semaphore(%run_scoped3A : memref<!tpu.dma_semaphore, #tpu.memory_space<semaphore_mem>>)
      %dma_wait3A_101 = arith.constant 0 : i32
      %dma_wait3A_102 = tpu.memref_slice %arg4[%add3A_29, %dma_wait3A_101] : memref<98304x128xf32, #tpu.memory_space<hbm>> -> memref<384x128xf32, #tpu.memory_space<hbm>>
      %dma_wait3A_103 = arith.constant 0 : i32
      %dma_wait3A_104 = tpu.memref_slice %arg4[%add3A_29, %dma_wait3A_103] : memref<98304x128xf32, #tpu.memory_space<hbm>> -> memref<384x128xf32, #tpu.memory_space<hbm>>
      tpu.wait_dma2 semaphore(%run_scoped3A : memref<!tpu.dma_semaphore, #tpu.memory_space<semaphore_mem>>) src(%arg7 : memref<384x128xf32, #tpu.memory_space<vmem>>) dst(%dma_wait3A_104 : memref<384x128xf32, #tpu.memory_space<hbm>>)
      tpu.yield
    }) : () -> ()
    %dma_wait3A_30 = arith.constant 768 : i32
    %dma_wait3A_31 = tpu.memref_slice %arg5[%dma_wait3A_30] : memref<3072xi32, #tpu.memory_space<vmem>> -> memref<384xi32, #tpu.memory_space<vmem>>
    %dma_wait3A_32 = arith.constant 0 : i32
    %dma_wait3A_33 = arith.constant 0 : i32
    %dma_wait3A_34 = tpu.memref_slice %arg2[%dma_wait3A_32, %dma_wait3A_33] : memref<4096x128xf32, #tpu.memory_space<hbm>> -> memref<4096x128xf32, #tpu.memory_space<hbm>>
    tpu.wait_indirect_dma semaphore(%arg8 : memref<!tpu.dma_semaphore, #tpu.memory_space<semaphore_mem>>) src(%dma_wait3A_34 : memref<4096x128xf32, #tpu.memory_space<hbm>>) dst(%arg6 : memref<384x128xf32, #tpu.memory_space<vmem>>)
    %dma_start3A_35 = arith.constant 1152 : i32
    %dma_start3A_36 = tpu.memref_slice %arg5[%dma_start3A_35] : memref<3072xi32, #tpu.memory_space<vmem>> -> memref<384xi32, #tpu.memory_space<vmem>>
    %dma_start3A_37 = arith.constant 0 : i32
    %dma_start3A_38 = arith.constant 0 : i32
    %dma_start3A_39 = tpu.memref_slice %arg2[%dma_start3A_37, %dma_start3A_38] : memref<4096x128xf32, #tpu.memory_space<hbm>> -> memref<4096x128xf32, #tpu.memory_space<hbm>>
    tpu.enqueue_indirect_dma source(%dma_start3A_39 : memref<4096x128xf32, #tpu.memory_space<hbm>>) target(%arg7 : memref<384x128xf32, #tpu.memory_space<vmem>>) offsets(%dma_start3A_36 : memref<384xi32, #tpu.memory_space<vmem>>) semaphore(%arg9 : memref<!tpu.dma_semaphore, #tpu.memory_space<semaphore_mem>>)
    %add3A_40 = arith.constant 768 : i32
    %add3A_41 = arith.addi %mul3A_2, %add3A_40 : i32
    "tpu.region"() ({
      %run_scoped3A = tpu.sem_alloc : memref<!tpu.dma_semaphore, #tpu.memory_space<semaphore_mem>>
      %dma_start3A_97 = arith.constant 0 : i32
      %dma_start3A_98 = tpu.memref_slice %arg4[%add3A_41, %dma_start3A_97] : memref<98304x128xf32, #tpu.memory_space<hbm>> -> memref<384x128xf32, #tpu.memory_space<hbm>>
      %dma_start3A_99 = arith.constant 0 : i32
      %dma_start3A_100 = tpu.memref_slice %arg4[%add3A_41, %dma_start3A_99] : memref<98304x128xf32, #tpu.memory_space<hbm>> -> memref<384x128xf32, #tpu.memory_space<hbm>>
      tpu.enqueue_dma source(%arg6 : memref<384x128xf32, #tpu.memory_space<vmem>>) target(%dma_start3A_100 : memref<384x128xf32, #tpu.memory_space<hbm>>) target_semaphore(%run_scoped3A : memref<!tpu.dma_semaphore, #tpu.memory_space<semaphore_mem>>)
      %dma_wait3A_101 = arith.constant 0 : i32
      %dma_wait3A_102 = tpu.memref_slice %arg4[%add3A_41, %dma_wait3A_101] : memref<98304x128xf32, #tpu.memory_space<hbm>> -> memref<384x128xf32, #tpu.memory_space<hbm>>
      %dma_wait3A_103 = arith.constant 0 : i32
      %dma_wait3A_104 = tpu.memref_slice %arg4[%add3A_41, %dma_wait3A_103] : memref<98304x128xf32, #tpu.memory_space<hbm>> -> memref<384x128xf32, #tpu.memory_space<hbm>>
      tpu.wait_dma2 semaphore(%run_scoped3A : memref<!tpu.dma_semaphore, #tpu.memory_space<semaphore_mem>>) src(%arg6 : memref<384x128xf32, #tpu.memory_space<vmem>>) dst(%dma_wait3A_104 : memref<384x128xf32, #tpu.memory_space<hbm>>)
      tpu.yield
    }) : () -> ()
    %dma_wait3A_42 = arith.constant 1152 : i32
    %dma_wait3A_43 = tpu.memref_slice %arg5[%dma_wait3A_42] : memref<3072xi32, #tpu.memory_space<vmem>> -> memref<384xi32, #tpu.memory_space<vmem>>
    %dma_wait3A_44 = arith.constant 0 : i32
    %dma_wait3A_45 = arith.constant 0 : i32
    %dma_wait3A_46 = tpu.memref_slice %arg2[%dma_wait3A_44, %dma_wait3A_45] : memref<4096x128xf32, #tpu.memory_space<hbm>> -> memref<4096x128xf32, #tpu.memory_space<hbm>>
    tpu.wait_indirect_dma semaphore(%arg9 : memref<!tpu.dma_semaphore, #tpu.memory_space<semaphore_mem>>) src(%dma_wait3A_46 : memref<4096x128xf32, #tpu.memory_space<hbm>>) dst(%arg7 : memref<384x128xf32, #tpu.memory_space<vmem>>)
    %dma_start3A_47 = arith.constant 1536 : i32
    %dma_start3A_48 = tpu.memref_slice %arg5[%dma_start3A_47] : memref<3072xi32, #tpu.memory_space<vmem>> -> memref<384xi32, #tpu.memory_space<vmem>>
    %dma_start3A_49 = arith.constant 0 : i32
    %dma_start3A_50 = arith.constant 0 : i32
    %dma_start3A_51 = tpu.memref_slice %arg2[%dma_start3A_49, %dma_start3A_50] : memref<4096x128xf32, #tpu.memory_space<hbm>> -> memref<4096x128xf32, #tpu.memory_space<hbm>>
    tpu.enqueue_indirect_dma source(%dma_start3A_51 : memref<4096x128xf32, #tpu.memory_space<hbm>>) target(%arg6 : memref<384x128xf32, #tpu.memory_space<vmem>>) offsets(%dma_start3A_48 : memref<384xi32, #tpu.memory_space<vmem>>) semaphore(%arg8 : memref<!tpu.dma_semaphore, #tpu.memory_space<semaphore_mem>>)
    %add3A_52 = arith.constant 1152 : i32
    %add3A_53 = arith.addi %mul3A_2, %add3A_52 : i32
    "tpu.region"() ({
      %run_scoped3A = tpu.sem_alloc : memref<!tpu.dma_semaphore, #tpu.memory_space<semaphore_mem>>
      %dma_start3A_97 = arith.constant 0 : i32
      %dma_start3A_98 = tpu.memref_slice %arg4[%add3A_53, %dma_start3A_97] : memref<98304x128xf32, #tpu.memory_space<hbm>> -> memref<384x128xf32, #tpu.memory_space<hbm>>
      %dma_start3A_99 = arith.constant 0 : i32
      %dma_start3A_100 = tpu.memref_slice %arg4[%add3A_53, %dma_start3A_99] : memref<98304x128xf32, #tpu.memory_space<hbm>> -> memref<384x128xf32, #tpu.memory_space<hbm>>
      tpu.enqueue_dma source(%arg7 : memref<384x128xf32, #tpu.memory_space<vmem>>) target(%dma_start3A_100 : memref<384x128xf32, #tpu.memory_space<hbm>>) target_semaphore(%run_scoped3A : memref<!tpu.dma_semaphore, #tpu.memory_space<semaphore_mem>>)
      %dma_wait3A_101 = arith.constant 0 : i32
      %dma_wait3A_102 = tpu.memref_slice %arg4[%add3A_53, %dma_wait3A_101] : memref<98304x128xf32, #tpu.memory_space<hbm>> -> memref<384x128xf32, #tpu.memory_space<hbm>>
      %dma_wait3A_103 = arith.constant 0 : i32
      %dma_wait3A_104 = tpu.memref_slice %arg4[%add3A_53, %dma_wait3A_103] : memref<98304x128xf32, #tpu.memory_space<hbm>> -> memref<384x128xf32, #tpu.memory_space<hbm>>
      tpu.wait_dma2 semaphore(%run_scoped3A : memref<!tpu.dma_semaphore, #tpu.memory_space<semaphore_mem>>) src(%arg7 : memref<384x128xf32, #tpu.memory_space<vmem>>) dst(%dma_wait3A_104 : memref<384x128xf32, #tpu.memory_space<hbm>>)
      tpu.yield
    }) : () -> ()
    %dma_wait3A_54 = arith.constant 1536 : i32
    %dma_wait3A_55 = tpu.memref_slice %arg5[%dma_wait3A_54] : memref<3072xi32, #tpu.memory_space<vmem>> -> memref<384xi32, #tpu.memory_space<vmem>>
    %dma_wait3A_56 = arith.constant 0 : i32
    %dma_wait3A_57 = arith.constant 0 : i32
    %dma_wait3A_58 = tpu.memref_slice %arg2[%dma_wait3A_56, %dma_wait3A_57] : memref<4096x128xf32, #tpu.memory_space<hbm>> -> memref<4096x128xf32, #tpu.memory_space<hbm>>
    tpu.wait_indirect_dma semaphore(%arg8 : memref<!tpu.dma_semaphore, #tpu.memory_space<semaphore_mem>>) src(%dma_wait3A_58 : memref<4096x128xf32, #tpu.memory_space<hbm>>) dst(%arg6 : memref<384x128xf32, #tpu.memory_space<vmem>>)
    %dma_start3A_59 = arith.constant 1920 : i32
    %dma_start3A_60 = tpu.memref_slice %arg5[%dma_start3A_59] : memref<3072xi32, #tpu.memory_space<vmem>> -> memref<384xi32, #tpu.memory_space<vmem>>
    %dma_start3A_61 = arith.constant 0 : i32
    %dma_start3A_62 = arith.constant 0 : i32
    %dma_start3A_63 = tpu.memref_slice %arg2[%dma_start3A_61, %dma_start3A_62] : memref<4096x128xf32, #tpu.memory_space<hbm>> -> memref<4096x128xf32, #tpu.memory_space<hbm>>
    tpu.enqueue_indirect_dma source(%dma_start3A_63 : memref<4096x128xf32, #tpu.memory_space<hbm>>) target(%arg7 : memref<384x128xf32, #tpu.memory_space<vmem>>) offsets(%dma_start3A_60 : memref<384xi32, #tpu.memory_space<vmem>>) semaphore(%arg9 : memref<!tpu.dma_semaphore, #tpu.memory_space<semaphore_mem>>)
    %add3A_64 = arith.constant 1536 : i32
    %add3A_65 = arith.addi %mul3A_2, %add3A_64 : i32
    "tpu.region"() ({
      %run_scoped3A = tpu.sem_alloc : memref<!tpu.dma_semaphore, #tpu.memory_space<semaphore_mem>>
      %dma_start3A_97 = arith.constant 0 : i32
      %dma_start3A_98 = tpu.memref_slice %arg4[%add3A_65, %dma_start3A_97] : memref<98304x128xf32, #tpu.memory_space<hbm>> -> memref<384x128xf32, #tpu.memory_space<hbm>>
      %dma_start3A_99 = arith.constant 0 : i32
      %dma_start3A_100 = tpu.memref_slice %arg4[%add3A_65, %dma_start3A_99] : memref<98304x128xf32, #tpu.memory_space<hbm>> -> memref<384x128xf32, #tpu.memory_space<hbm>>
      tpu.enqueue_dma source(%arg6 : memref<384x128xf32, #tpu.memory_space<vmem>>) target(%dma_start3A_100 : memref<384x128xf32, #tpu.memory_space<hbm>>) target_semaphore(%run_scoped3A : memref<!tpu.dma_semaphore, #tpu.memory_space<semaphore_mem>>)
      %dma_wait3A_101 = arith.constant 0 : i32
      %dma_wait3A_102 = tpu.memref_slice %arg4[%add3A_65, %dma_wait3A_101] : memref<98304x128xf32, #tpu.memory_space<hbm>> -> memref<384x128xf32, #tpu.memory_space<hbm>>
      %dma_wait3A_103 = arith.constant 0 : i32
      %dma_wait3A_104 = tpu.memref_slice %arg4[%add3A_65, %dma_wait3A_103] : memref<98304x128xf32, #tpu.memory_space<hbm>> -> memref<384x128xf32, #tpu.memory_space<hbm>>
      tpu.wait_dma2 semaphore(%run_scoped3A : memref<!tpu.dma_semaphore, #tpu.memory_space<semaphore_mem>>) src(%arg6 : memref<384x128xf32, #tpu.memory_space<vmem>>) dst(%dma_wait3A_104 : memref<384x128xf32, #tpu.memory_space<hbm>>)
      tpu.yield
    }) : () -> ()
    %dma_wait3A_66 = arith.constant 1920 : i32
    %dma_wait3A_67 = tpu.memref_slice %arg5[%dma_wait3A_66] : memref<3072xi32, #tpu.memory_space<vmem>> -> memref<384xi32, #tpu.memory_space<vmem>>
    %dma_wait3A_68 = arith.constant 0 : i32
    %dma_wait3A_69 = arith.constant 0 : i32
    %dma_wait3A_70 = tpu.memref_slice %arg2[%dma_wait3A_68, %dma_wait3A_69] : memref<4096x128xf32, #tpu.memory_space<hbm>> -> memref<4096x128xf32, #tpu.memory_space<hbm>>
    tpu.wait_indirect_dma semaphore(%arg9 : memref<!tpu.dma_semaphore, #tpu.memory_space<semaphore_mem>>) src(%dma_wait3A_70 : memref<4096x128xf32, #tpu.memory_space<hbm>>) dst(%arg7 : memref<384x128xf32, #tpu.memory_space<vmem>>)
    %dma_start3A_71 = arith.constant 2304 : i32
    %dma_start3A_72 = tpu.memref_slice %arg5[%dma_start3A_71] : memref<3072xi32, #tpu.memory_space<vmem>> -> memref<384xi32, #tpu.memory_space<vmem>>
    %dma_start3A_73 = arith.constant 0 : i32
    %dma_start3A_74 = arith.constant 0 : i32
    %dma_start3A_75 = tpu.memref_slice %arg2[%dma_start3A_73, %dma_start3A_74] : memref<4096x128xf32, #tpu.memory_space<hbm>> -> memref<4096x128xf32, #tpu.memory_space<hbm>>
    tpu.enqueue_indirect_dma source(%dma_start3A_75 : memref<4096x128xf32, #tpu.memory_space<hbm>>) target(%arg6 : memref<384x128xf32, #tpu.memory_space<vmem>>) offsets(%dma_start3A_72 : memref<384xi32, #tpu.memory_space<vmem>>) semaphore(%arg8 : memref<!tpu.dma_semaphore, #tpu.memory_space<semaphore_mem>>)
    %add3A_76 = arith.constant 1920 : i32
    %add3A_77 = arith.addi %mul3A_2, %add3A_76 : i32
    "tpu.region"() ({
      %run_scoped3A = tpu.sem_alloc : memref<!tpu.dma_semaphore, #tpu.memory_space<semaphore_mem>>
      %dma_start3A_97 = arith.constant 0 : i32
      %dma_start3A_98 = tpu.memref_slice %arg4[%add3A_77, %dma_start3A_97] : memref<98304x128xf32, #tpu.memory_space<hbm>> -> memref<384x128xf32, #tpu.memory_space<hbm>>
      %dma_start3A_99 = arith.constant 0 : i32
      %dma_start3A_100 = tpu.memref_slice %arg4[%add3A_77, %dma_start3A_99] : memref<98304x128xf32, #tpu.memory_space<hbm>> -> memref<384x128xf32, #tpu.memory_space<hbm>>
      tpu.enqueue_dma source(%arg7 : memref<384x128xf32, #tpu.memory_space<vmem>>) target(%dma_start3A_100 : memref<384x128xf32, #tpu.memory_space<hbm>>) target_semaphore(%run_scoped3A : memref<!tpu.dma_semaphore, #tpu.memory_space<semaphore_mem>>)
      %dma_wait3A_101 = arith.constant 0 : i32
      %dma_wait3A_102 = tpu.memref_slice %arg4[%add3A_77, %dma_wait3A_101] : memref<98304x128xf32, #tpu.memory_space<hbm>> -> memref<384x128xf32, #tpu.memory_space<hbm>>
      %dma_wait3A_103 = arith.constant 0 : i32
      %dma_wait3A_104 = tpu.memref_slice %arg4[%add3A_77, %dma_wait3A_103] : memref<98304x128xf32, #tpu.memory_space<hbm>> -> memref<384x128xf32, #tpu.memory_space<hbm>>
      tpu.wait_dma2 semaphore(%run_scoped3A : memref<!tpu.dma_semaphore, #tpu.memory_space<semaphore_mem>>) src(%arg7 : memref<384x128xf32, #tpu.memory_space<vmem>>) dst(%dma_wait3A_104 : memref<384x128xf32, #tpu.memory_space<hbm>>)
      tpu.yield
    }) : () -> ()
    %dma_wait3A_78 = arith.constant 2304 : i32
    %dma_wait3A_79 = tpu.memref_slice %arg5[%dma_wait3A_78] : memref<3072xi32, #tpu.memory_space<vmem>> -> memref<384xi32, #tpu.memory_space<vmem>>
    %dma_wait3A_80 = arith.constant 0 : i32
    %dma_wait3A_81 = arith.constant 0 : i32
    %dma_wait3A_82 = tpu.memref_slice %arg2[%dma_wait3A_80, %dma_wait3A_81] : memref<4096x128xf32, #tpu.memory_space<hbm>> -> memref<4096x128xf32, #tpu.memory_space<hbm>>
    tpu.wait_indirect_dma semaphore(%arg8 : memref<!tpu.dma_semaphore, #tpu.memory_space<semaphore_mem>>) src(%dma_wait3A_82 : memref<4096x128xf32, #tpu.memory_space<hbm>>) dst(%arg6 : memref<384x128xf32, #tpu.memory_space<vmem>>)
    %dma_start3A_83 = arith.constant 2688 : i32
    %dma_start3A_84 = tpu.memref_slice %arg5[%dma_start3A_83] : memref<3072xi32, #tpu.memory_space<vmem>> -> memref<384xi32, #tpu.memory_space<vmem>>
    %dma_start3A_85 = arith.constant 0 : i32
    %dma_start3A_86 = arith.constant 0 : i32
    %dma_start3A_87 = tpu.memref_slice %arg2[%dma_start3A_85, %dma_start3A_86] : memref<4096x128xf32, #tpu.memory_space<hbm>> -> memref<4096x128xf32, #tpu.memory_space<hbm>>
    tpu.enqueue_indirect_dma source(%dma_start3A_87 : memref<4096x128xf32, #tpu.memory_space<hbm>>) target(%arg7 : memref<384x128xf32, #tpu.memory_space<vmem>>) offsets(%dma_start3A_84 : memref<384xi32, #tpu.memory_space<vmem>>) semaphore(%arg9 : memref<!tpu.dma_semaphore, #tpu.memory_space<semaphore_mem>>)
    %add3A_88 = arith.constant 2304 : i32
    %add3A_89 = arith.addi %mul3A_2, %add3A_88 : i32
    "tpu.region"() ({
      %run_scoped3A = tpu.sem_alloc : memref<!tpu.dma_semaphore, #tpu.memory_space<semaphore_mem>>
      %dma_start3A_97 = arith.constant 0 : i32
      %dma_start3A_98 = tpu.memref_slice %arg4[%add3A_89, %dma_start3A_97] : memref<98304x128xf32, #tpu.memory_space<hbm>> -> memref<384x128xf32, #tpu.memory_space<hbm>>
      %dma_start3A_99 = arith.constant 0 : i32
      %dma_start3A_100 = tpu.memref_slice %arg4[%add3A_89, %dma_start3A_99] : memref<98304x128xf32, #tpu.memory_space<hbm>> -> memref<384x128xf32, #tpu.memory_space<hbm>>
      tpu.enqueue_dma source(%arg6 : memref<384x128xf32, #tpu.memory_space<vmem>>) target(%dma_start3A_100 : memref<384x128xf32, #tpu.memory_space<hbm>>) target_semaphore(%run_scoped3A : memref<!tpu.dma_semaphore, #tpu.memory_space<semaphore_mem>>)
      %dma_wait3A_101 = arith.constant 0 : i32
      %dma_wait3A_102 = tpu.memref_slice %arg4[%add3A_89, %dma_wait3A_101] : memref<98304x128xf32, #tpu.memory_space<hbm>> -> memref<384x128xf32, #tpu.memory_space<hbm>>
      %dma_wait3A_103 = arith.constant 0 : i32
      %dma_wait3A_104 = tpu.memref_slice %arg4[%add3A_89, %dma_wait3A_103] : memref<98304x128xf32, #tpu.memory_space<hbm>> -> memref<384x128xf32, #tpu.memory_space<hbm>>
      tpu.wait_dma2 semaphore(%run_scoped3A : memref<!tpu.dma_semaphore, #tpu.memory_space<semaphore_mem>>) src(%arg6 : memref<384x128xf32, #tpu.memory_space<vmem>>) dst(%dma_wait3A_104 : memref<384x128xf32, #tpu.memory_space<hbm>>)
      tpu.yield
    }) : () -> ()
    %dma_wait3A_90 = arith.constant 2688 : i32
    %dma_wait3A_91 = tpu.memref_slice %arg5[%dma_wait3A_90] : memref<3072xi32, #tpu.memory_space<vmem>> -> memref<384xi32, #tpu.memory_space<vmem>>
    %dma_wait3A_92 = arith.constant 0 : i32
    %dma_wait3A_93 = arith.constant 0 : i32
    %dma_wait3A_94 = tpu.memref_slice %arg2[%dma_wait3A_92, %dma_wait3A_93] : memref<4096x128xf32, #tpu.memory_space<hbm>> -> memref<4096x128xf32, #tpu.memory_space<hbm>>
    tpu.wait_indirect_dma semaphore(%arg9 : memref<!tpu.dma_semaphore, #tpu.memory_space<semaphore_mem>>) src(%dma_wait3A_94 : memref<4096x128xf32, #tpu.memory_space<hbm>>) dst(%arg7 : memref<384x128xf32, #tpu.memory_space<vmem>>)
    %add3A_95 = arith.constant 2688 : i32
    %add3A_96 = arith.addi %mul3A_2, %add3A_95 : i32
    "tpu.region"() ({
      %run_scoped3A = tpu.sem_alloc : memref<!tpu.dma_semaphore, #tpu.memory_space<semaphore_mem>>
      %dma_start3A_97 = arith.constant 0 : i32
      %dma_start3A_98 = tpu.memref_slice %arg4[%add3A_96, %dma_start3A_97] : memref<98304x128xf32, #tpu.memory_space<hbm>> -> memref<384x128xf32, #tpu.memory_space<hbm>>
      %dma_start3A_99 = arith.constant 0 : i32
      %dma_start3A_100 = tpu.memref_slice %arg4[%add3A_96, %dma_start3A_99] : memref<98304x128xf32, #tpu.memory_space<hbm>> -> memref<384x128xf32, #tpu.memory_space<hbm>>
      tpu.enqueue_dma source(%arg7 : memref<384x128xf32, #tpu.memory_space<vmem>>) target(%dma_start3A_100 : memref<384x128xf32, #tpu.memory_space<hbm>>) target_semaphore(%run_scoped3A : memref<!tpu.dma_semaphore, #tpu.memory_space<semaphore_mem>>)
      %dma_wait3A_101 = arith.constant 0 : i32
      %dma_wait3A_102 = tpu.memref_slice %arg4[%add3A_96, %dma_wait3A_101] : memref<98304x128xf32, #tpu.memory_space<hbm>> -> memref<384x128xf32, #tpu.memory_space<hbm>>
      %dma_wait3A_103 = arith.constant 0 : i32
      %dma_wait3A_104 = tpu.memref_slice %arg4[%add3A_96, %dma_wait3A_103] : memref<98304x128xf32, #tpu.memory_space<hbm>> -> memref<384x128xf32, #tpu.memory_space<hbm>>
      tpu.wait_dma2 semaphore(%run_scoped3A : memref<!tpu.dma_semaphore, #tpu.memory_space<semaphore_mem>>) src(%arg7 : memref<384x128xf32, #tpu.memory_space<vmem>>) dst(%dma_wait3A_104 : memref<384x128xf32, #tpu.memory_space<hbm>>)
      tpu.yield
    }) : () -> ()
    return
  }
}

#map = affine_map<(d0, d1) -> (0, 0)>
#map1 = affine_map<(d0, d1) -> (0)>
module attributes {stable_mosaic.version = 14 : i64} {
  func.func @gather_kernel(%arg0: i32, %arg1: i32, %arg2: memref<4096x128xf32, #tpu.memory_space<hbm>>, %arg3: memref<98304xi32, #tpu.memory_space<hbm>>, %arg4: memref<98304x128xf32, #tpu.memory_space<hbm>>, %arg5: memref<3072xi32, #tpu.memory_space<vmem>>, %arg6: memref<384x128xf32, #tpu.memory_space<vmem>>, %arg7: memref<384x128xf32, #tpu.memory_space<vmem>>, %arg8: memref<!tpu.dma_semaphore, #tpu.memory_space<semaphore_mem>>, %arg9: memref<!tpu.dma_semaphore, #tpu.memory_space<semaphore_mem>>) attributes {dimension_semantics = [#tpu.dimension_semantics<core_parallel>, #tpu.dimension_semantics<subcore_parallel>], iteration_bounds = array<i64: 2, 16>, scalar_prefetch = 0 : i64, scratch_operands = 5 : i64, tpu.core_type = #tpu.core_type<sc_vector_subcore>, window_params = [{transform_indices = #map}, {transform_indices = #map1}, {transform_indices = #map}]} {
    %mul3A = arith.constant 2 : i32
    %mul3A_0 = arith.muli %arg1, %mul3A : i32
    %add3A = arith.addi %mul3A_0, %arg0 : i32
    %mul3A_1 = arith.constant 3072 : i32
    %mul3A_2 = arith.muli %add3A, %mul3A_1 : i32
    "tpu.region"() ({
      %run_scoped3A = tpu.sem_alloc : memref<!tpu.dma_semaphore, #tpu.memory_space<semaphore_mem>>
      %dma_start3A_97 = tpu.memref_slice %arg3[%mul3A_2] : memref<98304xi32, #tpu.memory_space<hbm>> -> memref<3072xi32, #tpu.memory_space<hbm>>
      %dma_start3A_98 = tpu.memref_slice %arg3[%mul3A_2] : memref<98304xi32, #tpu.memory_space<hbm>> -> memref<3072xi32, #tpu.memory_space<hbm>>
      tpu.enqueue_dma source(%dma_start3A_98 : memref<3072xi32, #tpu.memory_space<hbm>>) target(%arg5 : memref<3072xi32, #tpu.memory_space<vmem>>) target_semaphore(%run_scoped3A : memref<!tpu.dma_semaphore, #tpu.memory_space<semaphore_mem>>)
      %dma_wait3A_99 = tpu.memref_slice %arg3[%mul3A_2] : memref<98304xi32, #tpu.memory_space<hbm>> -> memref<3072xi32, #tpu.memory_space<hbm>>
      %dma_wait3A_100 = tpu.memref_slice %arg3[%mul3A_2] : memref<98304xi32, #tpu.memory_space<hbm>> -> memref<3072xi32, #tpu.memory_space<hbm>>
      tpu.wait_dma2 semaphore(%run_scoped3A : memref<!tpu.dma_semaphore, #tpu.memory_space<semaphore_mem>>) src(%dma_wait3A_100 : memref<3072xi32, #tpu.memory_space<hbm>>) dst(%arg5 : memref<3072xi32, #tpu.memory_space<vmem>>)
      tpu.yield
    }) : () -> ()
    %dma_start3A = arith.constant 0 : i32
    %dma_start3A_3 = tpu.memref_slice %arg5[%dma_start3A] : memref<3072xi32, #tpu.memory_space<vmem>> -> memref<384xi32, #tpu.memory_space<vmem>>
    %dma_start3A_4 = arith.constant 0 : i32
    %dma_start3A_5 = arith.constant 0 : i32
    %dma_start3A_6 = tpu.memref_slice %arg2[%dma_start3A_4, %dma_start3A_5] : memref<4096x128xf32, #tpu.memory_space<hbm>> -> memref<4096x128xf32, #tpu.memory_space<hbm>>
    tpu.enqueue_indirect_dma source(%dma_start3A_6 : memref<4096x128xf32, #tpu.memory_space<hbm>>) target(%arg6 : memref<384x128xf32, #tpu.memory_space<vmem>>) offsets(%dma_start3A_3 : memref<384xi32, #tpu.memory_space<vmem>>) semaphore(%arg8 : memref<!tpu.dma_semaphore, #tpu.memory_space<semaphore_mem>>)
    %dma_wait3A = arith.constant 0 : i32
    %dma_wait3A_7 = tpu.memref_slice %arg5[%dma_wait3A] : memref<3072xi32, #tpu.memory_space<vmem>> -> memref<384xi32, #tpu.memory_space<vmem>>
    %dma_wait3A_8 = arith.constant 0 : i32
    %dma_wait3A_9 = arith.constant 0 : i32
    %dma_wait3A_10 = tpu.memref_slice %arg2[%dma_wait3A_8, %dma_wait3A_9] : memref<4096x128xf32, #tpu.memory_space<hbm>> -> memref<4096x128xf32, #tpu.memory_space<hbm>>
    tpu.wait_indirect_dma semaphore(%arg8 : memref<!tpu.dma_semaphore, #tpu.memory_space<semaphore_mem>>) src(%dma_wait3A_10 : memref<4096x128xf32, #tpu.memory_space<hbm>>) dst(%arg6 : memref<384x128xf32, #tpu.memory_space<vmem>>)
    %dma_start3A_11 = arith.constant 384 : i32
    %dma_start3A_12 = tpu.memref_slice %arg5[%dma_start3A_11] : memref<3072xi32, #tpu.memory_space<vmem>> -> memref<384xi32, #tpu.memory_space<vmem>>
    %dma_start3A_13 = arith.constant 0 : i32
    %dma_start3A_14 = arith.constant 0 : i32
    %dma_start3A_15 = tpu.memref_slice %arg2[%dma_start3A_13, %dma_start3A_14] : memref<4096x128xf32, #tpu.memory_space<hbm>> -> memref<4096x128xf32, #tpu.memory_space<hbm>>
    tpu.enqueue_indirect_dma source(%dma_start3A_15 : memref<4096x128xf32, #tpu.memory_space<hbm>>) target(%arg7 : memref<384x128xf32, #tpu.memory_space<vmem>>) offsets(%dma_start3A_12 : memref<384xi32, #tpu.memory_space<vmem>>) semaphore(%arg9 : memref<!tpu.dma_semaphore, #tpu.memory_space<semaphore_mem>>)
    %add3A_16 = arith.constant 0 : i32
    %add3A_17 = arith.addi %mul3A_2, %add3A_16 : i32
    "tpu.region"() ({
      %run_scoped3A = tpu.sem_alloc : memref<!tpu.dma_semaphore, #tpu.memory_space<semaphore_mem>>
      %dma_start3A_97 = arith.constant 0 : i32
      %dma_start3A_98 = tpu.memref_slice %arg4[%add3A_17, %dma_start3A_97] : memref<98304x128xf32, #tpu.memory_space<hbm>> -> memref<384x128xf32, #tpu.memory_space<hbm>>
      %dma_start3A_99 = arith.constant 0 : i32
      %dma_start3A_100 = tpu.memref_slice %arg4[%add3A_17, %dma_start3A_99] : memref<98304x128xf32, #tpu.memory_space<hbm>> -> memref<384x128xf32, #tpu.memory_space<hbm>>
      tpu.enqueue_dma source(%arg6 : memref<384x128xf32, #tpu.memory_space<vmem>>) target(%dma_start3A_100 : memref<384x128xf32, #tpu.memory_space<hbm>>) target_semaphore(%run_scoped3A : memref<!tpu.dma_semaphore, #tpu.memory_space<semaphore_mem>>)
      %dma_wait3A_101 = arith.constant 0 : i32
      %dma_wait3A_102 = tpu.memref_slice %arg4[%add3A_17, %dma_wait3A_101] : memref<98304x128xf32, #tpu.memory_space<hbm>> -> memref<384x128xf32, #tpu.memory_space<hbm>>
      %dma_wait3A_103 = arith.constant 0 : i32
      %dma_wait3A_104 = tpu.memref_slice %arg4[%add3A_17, %dma_wait3A_103] : memref<98304x128xf32, #tpu.memory_space<hbm>> -> memref<384x128xf32, #tpu.memory_space<hbm>>
      tpu.wait_dma2 semaphore(%run_scoped3A : memref<!tpu.dma_semaphore, #tpu.memory_space<semaphore_mem>>) src(%arg6 : memref<384x128xf32, #tpu.memory_space<vmem>>) dst(%dma_wait3A_104 : memref<384x128xf32, #tpu.memory_space<hbm>>)
      tpu.yield
    }) : () -> ()
    %dma_wait3A_18 = arith.constant 384 : i32
    %dma_wait3A_19 = tpu.memref_slice %arg5[%dma_wait3A_18] : memref<3072xi32, #tpu.memory_space<vmem>> -> memref<384xi32, #tpu.memory_space<vmem>>
    %dma_wait3A_20 = arith.constant 0 : i32
    %dma_wait3A_21 = arith.constant 0 : i32
    %dma_wait3A_22 = tpu.memref_slice %arg2[%dma_wait3A_20, %dma_wait3A_21] : memref<4096x128xf32, #tpu.memory_space<hbm>> -> memref<4096x128xf32, #tpu.memory_space<hbm>>
    tpu.wait_indirect_dma semaphore(%arg9 : memref<!tpu.dma_semaphore, #tpu.memory_space<semaphore_mem>>) src(%dma_wait3A_22 : memref<4096x128xf32, #tpu.memory_space<hbm>>) dst(%arg7 : memref<384x128xf32, #tpu.memory_space<vmem>>)
    %dma_start3A_23 = arith.constant 768 : i32
    %dma_start3A_24 = tpu.memref_slice %arg5[%dma_start3A_23] : memref<3072xi32, #tpu.memory_space<vmem>> -> memref<384xi32, #tpu.memory_space<vmem>>
    %dma_start3A_25 = arith.constant 0 : i32
    %dma_start3A_26 = arith.constant 0 : i32
    %dma_start3A_27 = tpu.memref_slice %arg2[%dma_start3A_25, %dma_start3A_26] : memref<4096x128xf32, #tpu.memory_space<hbm>> -> memref<4096x128xf32, #tpu.memory_space<hbm>>
    tpu.enqueue_indirect_dma source(%dma_start3A_27 : memref<4096x128xf32, #tpu.memory_space<hbm>>) target(%arg6 : memref<384x128xf32, #tpu.memory_space<vmem>>) offsets(%dma_start3A_24 : memref<384xi32, #tpu.memory_space<vmem>>) semaphore(%arg8 : memref<!tpu.dma_semaphore, #tpu.memory_space<semaphore_mem>>)
    %add3A_28 = arith.constant 384 : i32
    %add3A_29 = arith.addi %mul3A_2, %add3A_28 : i32
    "tpu.region"() ({
      %run_scoped3A = tpu.sem_alloc : memref<!tpu.dma_semaphore, #tpu.memory_space<semaphore_mem>>
      %dma_start3A_97 = arith.constant 0 : i32
      %dma_start3A_98 = tpu.memref_slice %arg4[%add3A_29, %dma_start3A_97] : memref<98304x128xf32, #tpu.memory_space<hbm>> -> memref<384x128xf32, #tpu.memory_space<hbm>>
      %dma_start3A_99 = arith.constant 0 : i32
      %dma_start3A_100 = tpu.memref_slice %arg4[%add3A_29, %dma_start3A_99] : memref<98304x128xf32, #tpu.memory_space<hbm>> -> memref<384x128xf32, #tpu.memory_space<hbm>>
      tpu.enqueue_dma source(%arg7 : memref<384x128xf32, #tpu.memory_space<vmem>>) target(%dma_start3A_100 : memref<384x128xf32, #tpu.memory_space<hbm>>) target_semaphore(%run_scoped3A : memref<!tpu.dma_semaphore, #tpu.memory_space<semaphore_mem>>)
      %dma_wait3A_101 = arith.constant 0 : i32
      %dma_wait3A_102 = tpu.memref_slice %arg4[%add3A_29, %dma_wait3A_101] : memref<98304x128xf32, #tpu.memory_space<hbm>> -> memref<384x128xf32, #tpu.memory_space<hbm>>
      %dma_wait3A_103 = arith.constant 0 : i32
      %dma_wait3A_104 = tpu.memref_slice %arg4[%add3A_29, %dma_wait3A_103] : memref<98304x128xf32, #tpu.memory_space<hbm>> -> memref<384x128xf32, #tpu.memory_space<hbm>>
      tpu.wait_dma2 semaphore(%run_scoped3A : memref<!tpu.dma_semaphore, #tpu.memory_space<semaphore_mem>>) src(%arg7 : memref<384x128xf32, #tpu.memory_space<vmem>>) dst(%dma_wait3A_104 : memref<384x128xf32, #tpu.memory_space<hbm>>)
      tpu.yield
    }) : () -> ()
    %dma_wait3A_30 = arith.constant 768 : i32
    %dma_wait3A_31 = tpu.memref_slice %arg5[%dma_wait3A_30] : memref<3072xi32, #tpu.memory_space<vmem>> -> memref<384xi32, #tpu.memory_space<vmem>>
    %dma_wait3A_32 = arith.constant 0 : i32
    %dma_wait3A_33 = arith.constant 0 : i32
    %dma_wait3A_34 = tpu.memref_slice %arg2[%dma_wait3A_32, %dma_wait3A_33] : memref<4096x128xf32, #tpu.memory_space<hbm>> -> memref<4096x128xf32, #tpu.memory_space<hbm>>
    tpu.wait_indirect_dma semaphore(%arg8 : memref<!tpu.dma_semaphore, #tpu.memory_space<semaphore_mem>>) src(%dma_wait3A_34 : memref<4096x128xf32, #tpu.memory_space<hbm>>) dst(%arg6 : memref<384x128xf32, #tpu.memory_space<vmem>>)
    %dma_start3A_35 = arith.constant 1152 : i32
    %dma_start3A_36 = tpu.memref_slice %arg5[%dma_start3A_35] : memref<3072xi32, #tpu.memory_space<vmem>> -> memref<384xi32, #tpu.memory_space<vmem>>
    %dma_start3A_37 = arith.constant 0 : i32
    %dma_start3A_38 = arith.constant 0 : i32
    %dma_start3A_39 = tpu.memref_slice %arg2[%dma_start3A_37, %dma_start3A_38] : memref<4096x128xf32, #tpu.memory_space<hbm>> -> memref<4096x128xf32, #tpu.memory_space<hbm>>
    tpu.enqueue_indirect_dma source(%dma_start3A_39 : memref<4096x128xf32, #tpu.memory_space<hbm>>) target(%arg7 : memref<384x128xf32, #tpu.memory_space<vmem>>) offsets(%dma_start3A_36 : memref<384xi32, #tpu.memory_space<vmem>>) semaphore(%arg9 : memref<!tpu.dma_semaphore, #tpu.memory_space<semaphore_mem>>)
    %add3A_40 = arith.constant 768 : i32
    %add3A_41 = arith.addi %mul3A_2, %add3A_40 : i32
    "tpu.region"() ({
      %run_scoped3A = tpu.sem_alloc : memref<!tpu.dma_semaphore, #tpu.memory_space<semaphore_mem>>
      %dma_start3A_97 = arith.constant 0 : i32
      %dma_start3A_98 = tpu.memref_slice %arg4[%add3A_41, %dma_start3A_97] : memref<98304x128xf32, #tpu.memory_space<hbm>> -> memref<384x128xf32, #tpu.memory_space<hbm>>
      %dma_start3A_99 = arith.constant 0 : i32
      %dma_start3A_100 = tpu.memref_slice %arg4[%add3A_41, %dma_start3A_99] : memref<98304x128xf32, #tpu.memory_space<hbm>> -> memref<384x128xf32, #tpu.memory_space<hbm>>
      tpu.enqueue_dma source(%arg6 : memref<384x128xf32, #tpu.memory_space<vmem>>) target(%dma_start3A_100 : memref<384x128xf32, #tpu.memory_space<hbm>>) target_semaphore(%run_scoped3A : memref<!tpu.dma_semaphore, #tpu.memory_space<semaphore_mem>>)
      %dma_wait3A_101 = arith.constant 0 : i32
      %dma_wait3A_102 = tpu.memref_slice %arg4[%add3A_41, %dma_wait3A_101] : memref<98304x128xf32, #tpu.memory_space<hbm>> -> memref<384x128xf32, #tpu.memory_space<hbm>>
      %dma_wait3A_103 = arith.constant 0 : i32
      %dma_wait3A_104 = tpu.memref_slice %arg4[%add3A_41, %dma_wait3A_103] : memref<98304x128xf32, #tpu.memory_space<hbm>> -> memref<384x128xf32, #tpu.memory_space<hbm>>
      tpu.wait_dma2 semaphore(%run_scoped3A : memref<!tpu.dma_semaphore, #tpu.memory_space<semaphore_mem>>) src(%arg6 : memref<384x128xf32, #tpu.memory_space<vmem>>) dst(%dma_wait3A_104 : memref<384x128xf32, #tpu.memory_space<hbm>>)
      tpu.yield
    }) : () -> ()
    %dma_wait3A_42 = arith.constant 1152 : i32
    %dma_wait3A_43 = tpu.memref_slice %arg5[%dma_wait3A_42] : memref<3072xi32, #tpu.memory_space<vmem>> -> memref<384xi32, #tpu.memory_space<vmem>>
    %dma_wait3A_44 = arith.constant 0 : i32
    %dma_wait3A_45 = arith.constant 0 : i32
    %dma_wait3A_46 = tpu.memref_slice %arg2[%dma_wait3A_44, %dma_wait3A_45] : memref<4096x128xf32, #tpu.memory_space<hbm>> -> memref<4096x128xf32, #tpu.memory_space<hbm>>
    tpu.wait_indirect_dma semaphore(%arg9 : memref<!tpu.dma_semaphore, #tpu.memory_space<semaphore_mem>>) src(%dma_wait3A_46 : memref<4096x128xf32, #tpu.memory_space<hbm>>) dst(%arg7 : memref<384x128xf32, #tpu.memory_space<vmem>>)
    %dma_start3A_47 = arith.constant 1536 : i32
    %dma_start3A_48 = tpu.memref_slice %arg5[%dma_start3A_47] : memref<3072xi32, #tpu.memory_space<vmem>> -> memref<384xi32, #tpu.memory_space<vmem>>
    %dma_start3A_49 = arith.constant 0 : i32
    %dma_start3A_50 = arith.constant 0 : i32
    %dma_start3A_51 = tpu.memref_slice %arg2[%dma_start3A_49, %dma_start3A_50] : memref<4096x128xf32, #tpu.memory_space<hbm>> -> memref<4096x128xf32, #tpu.memory_space<hbm>>
    tpu.enqueue_indirect_dma source(%dma_start3A_51 : memref<4096x128xf32, #tpu.memory_space<hbm>>) target(%arg6 : memref<384x128xf32, #tpu.memory_space<vmem>>) offsets(%dma_start3A_48 : memref<384xi32, #tpu.memory_space<vmem>>) semaphore(%arg8 : memref<!tpu.dma_semaphore, #tpu.memory_space<semaphore_mem>>)
    %add3A_52 = arith.constant 1152 : i32
    %add3A_53 = arith.addi %mul3A_2, %add3A_52 : i32
    "tpu.region"() ({
      %run_scoped3A = tpu.sem_alloc : memref<!tpu.dma_semaphore, #tpu.memory_space<semaphore_mem>>
      %dma_start3A_97 = arith.constant 0 : i32
      %dma_start3A_98 = tpu.memref_slice %arg4[%add3A_53, %dma_start3A_97] : memref<98304x128xf32, #tpu.memory_space<hbm>> -> memref<384x128xf32, #tpu.memory_space<hbm>>
      %dma_start3A_99 = arith.constant 0 : i32
      %dma_start3A_100 = tpu.memref_slice %arg4[%add3A_53, %dma_start3A_99] : memref<98304x128xf32, #tpu.memory_space<hbm>> -> memref<384x128xf32, #tpu.memory_space<hbm>>
      tpu.enqueue_dma source(%arg7 : memref<384x128xf32, #tpu.memory_space<vmem>>) target(%dma_start3A_100 : memref<384x128xf32, #tpu.memory_space<hbm>>) target_semaphore(%run_scoped3A : memref<!tpu.dma_semaphore, #tpu.memory_space<semaphore_mem>>)
      %dma_wait3A_101 = arith.constant 0 : i32
      %dma_wait3A_102 = tpu.memref_slice %arg4[%add3A_53, %dma_wait3A_101] : memref<98304x128xf32, #tpu.memory_space<hbm>> -> memref<384x128xf32, #tpu.memory_space<hbm>>
      %dma_wait3A_103 = arith.constant 0 : i32
      %dma_wait3A_104 = tpu.memref_slice %arg4[%add3A_53, %dma_wait3A_103] : memref<98304x128xf32, #tpu.memory_space<hbm>> -> memref<384x128xf32, #tpu.memory_space<hbm>>
      tpu.wait_dma2 semaphore(%run_scoped3A : memref<!tpu.dma_semaphore, #tpu.memory_space<semaphore_mem>>) src(%arg7 : memref<384x128xf32, #tpu.memory_space<vmem>>) dst(%dma_wait3A_104 : memref<384x128xf32, #tpu.memory_space<hbm>>)
      tpu.yield
    }) : () -> ()
    %dma_wait3A_54 = arith.constant 1536 : i32
    %dma_wait3A_55 = tpu.memref_slice %arg5[%dma_wait3A_54] : memref<3072xi32, #tpu.memory_space<vmem>> -> memref<384xi32, #tpu.memory_space<vmem>>
    %dma_wait3A_56 = arith.constant 0 : i32
    %dma_wait3A_57 = arith.constant 0 : i32
    %dma_wait3A_58 = tpu.memref_slice %arg2[%dma_wait3A_56, %dma_wait3A_57] : memref<4096x128xf32, #tpu.memory_space<hbm>> -> memref<4096x128xf32, #tpu.memory_space<hbm>>
    tpu.wait_indirect_dma semaphore(%arg8 : memref<!tpu.dma_semaphore, #tpu.memory_space<semaphore_mem>>) src(%dma_wait3A_58 : memref<4096x128xf32, #tpu.memory_space<hbm>>) dst(%arg6 : memref<384x128xf32, #tpu.memory_space<vmem>>)
    %dma_start3A_59 = arith.constant 1920 : i32
    %dma_start3A_60 = tpu.memref_slice %arg5[%dma_start3A_59] : memref<3072xi32, #tpu.memory_space<vmem>> -> memref<384xi32, #tpu.memory_space<vmem>>
    %dma_start3A_61 = arith.constant 0 : i32
    %dma_start3A_62 = arith.constant 0 : i32
    %dma_start3A_63 = tpu.memref_slice %arg2[%dma_start3A_61, %dma_start3A_62] : memref<4096x128xf32, #tpu.memory_space<hbm>> -> memref<4096x128xf32, #tpu.memory_space<hbm>>
    tpu.enqueue_indirect_dma source(%dma_start3A_63 : memref<4096x128xf32, #tpu.memory_space<hbm>>) target(%arg7 : memref<384x128xf32, #tpu.memory_space<vmem>>) offsets(%dma_start3A_60 : memref<384xi32, #tpu.memory_space<vmem>>) semaphore(%arg9 : memref<!tpu.dma_semaphore, #tpu.memory_space<semaphore_mem>>)
    %add3A_64 = arith.constant 1536 : i32
    %add3A_65 = arith.addi %mul3A_2, %add3A_64 : i32
    "tpu.region"() ({
      %run_scoped3A = tpu.sem_alloc : memref<!tpu.dma_semaphore, #tpu.memory_space<semaphore_mem>>
      %dma_start3A_97 = arith.constant 0 : i32
      %dma_start3A_98 = tpu.memref_slice %arg4[%add3A_65, %dma_start3A_97] : memref<98304x128xf32, #tpu.memory_space<hbm>> -> memref<384x128xf32, #tpu.memory_space<hbm>>
      %dma_start3A_99 = arith.constant 0 : i32
      %dma_start3A_100 = tpu.memref_slice %arg4[%add3A_65, %dma_start3A_99] : memref<98304x128xf32, #tpu.memory_space<hbm>> -> memref<384x128xf32, #tpu.memory_space<hbm>>
      tpu.enqueue_dma source(%arg6 : memref<384x128xf32, #tpu.memory_space<vmem>>) target(%dma_start3A_100 : memref<384x128xf32, #tpu.memory_space<hbm>>) target_semaphore(%run_scoped3A : memref<!tpu.dma_semaphore, #tpu.memory_space<semaphore_mem>>)
      %dma_wait3A_101 = arith.constant 0 : i32
      %dma_wait3A_102 = tpu.memref_slice %arg4[%add3A_65, %dma_wait3A_101] : memref<98304x128xf32, #tpu.memory_space<hbm>> -> memref<384x128xf32, #tpu.memory_space<hbm>>
      %dma_wait3A_103 = arith.constant 0 : i32
      %dma_wait3A_104 = tpu.memref_slice %arg4[%add3A_65, %dma_wait3A_103] : memref<98304x128xf32, #tpu.memory_space<hbm>> -> memref<384x128xf32, #tpu.memory_space<hbm>>
      tpu.wait_dma2 semaphore(%run_scoped3A : memref<!tpu.dma_semaphore, #tpu.memory_space<semaphore_mem>>) src(%arg6 : memref<384x128xf32, #tpu.memory_space<vmem>>) dst(%dma_wait3A_104 : memref<384x128xf32, #tpu.memory_space<hbm>>)
      tpu.yield
    }) : () -> ()
    %dma_wait3A_66 = arith.constant 1920 : i32
    %dma_wait3A_67 = tpu.memref_slice %arg5[%dma_wait3A_66] : memref<3072xi32, #tpu.memory_space<vmem>> -> memref<384xi32, #tpu.memory_space<vmem>>
    %dma_wait3A_68 = arith.constant 0 : i32
    %dma_wait3A_69 = arith.constant 0 : i32
    %dma_wait3A_70 = tpu.memref_slice %arg2[%dma_wait3A_68, %dma_wait3A_69] : memref<4096x128xf32, #tpu.memory_space<hbm>> -> memref<4096x128xf32, #tpu.memory_space<hbm>>
    tpu.wait_indirect_dma semaphore(%arg9 : memref<!tpu.dma_semaphore, #tpu.memory_space<semaphore_mem>>) src(%dma_wait3A_70 : memref<4096x128xf32, #tpu.memory_space<hbm>>) dst(%arg7 : memref<384x128xf32, #tpu.memory_space<vmem>>)
    %dma_start3A_71 = arith.constant 2304 : i32
    %dma_start3A_72 = tpu.memref_slice %arg5[%dma_start3A_71] : memref<3072xi32, #tpu.memory_space<vmem>> -> memref<384xi32, #tpu.memory_space<vmem>>
    %dma_start3A_73 = arith.constant 0 : i32
    %dma_start3A_74 = arith.constant 0 : i32
    %dma_start3A_75 = tpu.memref_slice %arg2[%dma_start3A_73, %dma_start3A_74] : memref<4096x128xf32, #tpu.memory_space<hbm>> -> memref<4096x128xf32, #tpu.memory_space<hbm>>
    tpu.enqueue_indirect_dma source(%dma_start3A_75 : memref<4096x128xf32, #tpu.memory_space<hbm>>) target(%arg6 : memref<384x128xf32, #tpu.memory_space<vmem>>) offsets(%dma_start3A_72 : memref<384xi32, #tpu.memory_space<vmem>>) semaphore(%arg8 : memref<!tpu.dma_semaphore, #tpu.memory_space<semaphore_mem>>)
    %add3A_76 = arith.constant 1920 : i32
    %add3A_77 = arith.addi %mul3A_2, %add3A_76 : i32
    "tpu.region"() ({
      %run_scoped3A = tpu.sem_alloc : memref<!tpu.dma_semaphore, #tpu.memory_space<semaphore_mem>>
      %dma_start3A_97 = arith.constant 0 : i32
      %dma_start3A_98 = tpu.memref_slice %arg4[%add3A_77, %dma_start3A_97] : memref<98304x128xf32, #tpu.memory_space<hbm>> -> memref<384x128xf32, #tpu.memory_space<hbm>>
      %dma_start3A_99 = arith.constant 0 : i32
      %dma_start3A_100 = tpu.memref_slice %arg4[%add3A_77, %dma_start3A_99] : memref<98304x128xf32, #tpu.memory_space<hbm>> -> memref<384x128xf32, #tpu.memory_space<hbm>>
      tpu.enqueue_dma source(%arg7 : memref<384x128xf32, #tpu.memory_space<vmem>>) target(%dma_start3A_100 : memref<384x128xf32, #tpu.memory_space<hbm>>) target_semaphore(%run_scoped3A : memref<!tpu.dma_semaphore, #tpu.memory_space<semaphore_mem>>)
      %dma_wait3A_101 = arith.constant 0 : i32
      %dma_wait3A_102 = tpu.memref_slice %arg4[%add3A_77, %dma_wait3A_101] : memref<98304x128xf32, #tpu.memory_space<hbm>> -> memref<384x128xf32, #tpu.memory_space<hbm>>
      %dma_wait3A_103 = arith.constant 0 : i32
      %dma_wait3A_104 = tpu.memref_slice %arg4[%add3A_77, %dma_wait3A_103] : memref<98304x128xf32, #tpu.memory_space<hbm>> -> memref<384x128xf32, #tpu.memory_space<hbm>>
      tpu.wait_dma2 semaphore(%run_scoped3A : memref<!tpu.dma_semaphore, #tpu.memory_space<semaphore_mem>>) src(%arg7 : memref<384x128xf32, #tpu.memory_space<vmem>>) dst(%dma_wait3A_104 : memref<384x128xf32, #tpu.memory_space<hbm>>)
      tpu.yield
    }) : () -> ()
    %dma_wait3A_78 = arith.constant 2304 : i32
    %dma_wait3A_79 = tpu.memref_slice %arg5[%dma_wait3A_78] : memref<3072xi32, #tpu.memory_space<vmem>> -> memref<384xi32, #tpu.memory_space<vmem>>
    %dma_wait3A_80 = arith.constant 0 : i32
    %dma_wait3A_81 = arith.constant 0 : i32
    %dma_wait3A_82 = tpu.memref_slice %arg2[%dma_wait3A_80, %dma_wait3A_81] : memref<4096x128xf32, #tpu.memory_space<hbm>> -> memref<4096x128xf32, #tpu.memory_space<hbm>>
    tpu.wait_indirect_dma semaphore(%arg8 : memref<!tpu.dma_semaphore, #tpu.memory_space<semaphore_mem>>) src(%dma_wait3A_82 : memref<4096x128xf32, #tpu.memory_space<hbm>>) dst(%arg6 : memref<384x128xf32, #tpu.memory_space<vmem>>)
    %dma_start3A_83 = arith.constant 2688 : i32
    %dma_start3A_84 = tpu.memref_slice %arg5[%dma_start3A_83] : memref<3072xi32, #tpu.memory_space<vmem>> -> memref<384xi32, #tpu.memory_space<vmem>>
    %dma_start3A_85 = arith.constant 0 : i32
    %dma_start3A_86 = arith.constant 0 : i32
    %dma_start3A_87 = tpu.memref_slice %arg2[%dma_start3A_85, %dma_start3A_86] : memref<4096x128xf32, #tpu.memory_space<hbm>> -> memref<4096x128xf32, #tpu.memory_space<hbm>>
    tpu.enqueue_indirect_dma source(%dma_start3A_87 : memref<4096x128xf32, #tpu.memory_space<hbm>>) target(%arg7 : memref<384x128xf32, #tpu.memory_space<vmem>>) offsets(%dma_start3A_84 : memref<384xi32, #tpu.memory_space<vmem>>) semaphore(%arg9 : memref<!tpu.dma_semaphore, #tpu.memory_space<semaphore_mem>>)
    %add3A_88 = arith.constant 2304 : i32
    %add3A_89 = arith.addi %mul3A_2, %add3A_88 : i32
    "tpu.region"() ({
      %run_scoped3A = tpu.sem_alloc : memref<!tpu.dma_semaphore, #tpu.memory_space<semaphore_mem>>
      %dma_start3A_97 = arith.constant 0 : i32
      %dma_start3A_98 = tpu.memref_slice %arg4[%add3A_89, %dma_start3A_97] : memref<98304x128xf32, #tpu.memory_space<hbm>> -> memref<384x128xf32, #tpu.memory_space<hbm>>
      %dma_start3A_99 = arith.constant 0 : i32
      %dma_start3A_100 = tpu.memref_slice %arg4[%add3A_89, %dma_start3A_99] : memref<98304x128xf32, #tpu.memory_space<hbm>> -> memref<384x128xf32, #tpu.memory_space<hbm>>
      tpu.enqueue_dma source(%arg6 : memref<384x128xf32, #tpu.memory_space<vmem>>) target(%dma_start3A_100 : memref<384x128xf32, #tpu.memory_space<hbm>>) target_semaphore(%run_scoped3A : memref<!tpu.dma_semaphore, #tpu.memory_space<semaphore_mem>>)
      %dma_wait3A_101 = arith.constant 0 : i32
      %dma_wait3A_102 = tpu.memref_slice %arg4[%add3A_89, %dma_wait3A_101] : memref<98304x128xf32, #tpu.memory_space<hbm>> -> memref<384x128xf32, #tpu.memory_space<hbm>>
      %dma_wait3A_103 = arith.constant 0 : i32
      %dma_wait3A_104 = tpu.memref_slice %arg4[%add3A_89, %dma_wait3A_103] : memref<98304x128xf32, #tpu.memory_space<hbm>> -> memref<384x128xf32, #tpu.memory_space<hbm>>
      tpu.wait_dma2 semaphore(%run_scoped3A : memref<!tpu.dma_semaphore, #tpu.memory_space<semaphore_mem>>) src(%arg6 : memref<384x128xf32, #tpu.memory_space<vmem>>) dst(%dma_wait3A_104 : memref<384x128xf32, #tpu.memory_space<hbm>>)
      tpu.yield
    }) : () -> ()
    %dma_wait3A_90 = arith.constant 2688 : i32
    %dma_wait3A_91 = tpu.memref_slice %arg5[%dma_wait3A_90] : memref<3072xi32, #tpu.memory_space<vmem>> -> memref<384xi32, #tpu.memory_space<vmem>>
    %dma_wait3A_92 = arith.constant 0 : i32
    %dma_wait3A_93 = arith.constant 0 : i32
    %dma_wait3A_94 = tpu.memref_slice %arg2[%dma_wait3A_92, %dma_wait3A_93] : memref<4096x128xf32, #tpu.memory_space<hbm>> -> memref<4096x128xf32, #tpu.memory_space<hbm>>
    tpu.wait_indirect_dma semaphore(%arg9 : memref<!tpu.dma_semaphore, #tpu.memory_space<semaphore_mem>>) src(%dma_wait3A_94 : memref<4096x128xf32, #tpu.memory_space<hbm>>) dst(%arg7 : memref<384x128xf32, #tpu.memory_space<vmem>>)
    %add3A_95 = arith.constant 2688 : i32
    %add3A_96 = arith.addi %mul3A_2, %add3A_95 : i32
    "tpu.region"() ({
      %run_scoped3A = tpu.sem_alloc : memref<!tpu.dma_semaphore, #tpu.memory_space<semaphore_mem>>
      %dma_start3A_97 = arith.constant 0 : i32
      %dma_start3A_98 = tpu.memref_slice %arg4[%add3A_96, %dma_start3A_97] : memref<98304x128xf32, #tpu.memory_space<hbm>> -> memref<384x128xf32, #tpu.memory_space<hbm>>
      %dma_start3A_99 = arith.constant 0 : i32
      %dma_start3A_100 = tpu.memref_slice %arg4[%add3A_96, %dma_start3A_99] : memref<98304x128xf32, #tpu.memory_space<hbm>> -> memref<384x128xf32, #tpu.memory_space<hbm>>
      tpu.enqueue_dma source(%arg7 : memref<384x128xf32, #tpu.memory_space<vmem>>) target(%dma_start3A_100 : memref<384x128xf32, #tpu.memory_space<hbm>>) target_semaphore(%run_scoped3A : memref<!tpu.dma_semaphore, #tpu.memory_space<semaphore_mem>>)
      %dma_wait3A_101 = arith.constant 0 : i32
      %dma_wait3A_102 = tpu.memref_slice %arg4[%add3A_96, %dma_wait3A_101] : memref<98304x128xf32, #tpu.memory_space<hbm>> -> memref<384x128xf32, #tpu.memory_space<hbm>>
      %dma_wait3A_103 = arith.constant 0 : i32
      %dma_wait3A_104 = tpu.memref_slice %arg4[%add3A_96, %dma_wait3A_103] : memref<98304x128xf32, #tpu.memory_space<hbm>> -> memref<384x128xf32, #tpu.memory_space<hbm>>
      tpu.wait_dma2 semaphore(%run_scoped3A : memref<!tpu.dma_semaphore, #tpu.memory_space<semaphore_mem>>) src(%arg7 : memref<384x128xf32, #tpu.memory_space<vmem>>) dst(%dma_wait3A_104 : memref<384x128xf32, #tpu.memory_space<hbm>>)
      tpu.yield
    }) : () -> ()
    return
  }
}

module attributes {stable_mosaic.version = 14 : i64} {
  func.func @_knn_body(%arg0: i32, %arg1: memref<3x1024xf32, #tpu.memory_space<vmem>>, %arg2: memref<1024x3xf32, #tpu.memory_space<vmem>>, %arg3: memref<3x1024xi32, #tpu.memory_space<vmem>>, %arg4: memref<1024x3xf32, #tpu.memory_space<vmem>>) attributes {dimension_semantics = [#tpu.dimension_semantics<arbitrary>], iteration_bounds = array<i64: 16>, scalar_prefetch = 0 : i64, scratch_operands = 0 : i64, tpu.core_type = #tpu.core_type<tc>, window_params = [{transform_indices = @transform_0, window_bounds = array<i64: 3, 1024>}, {pipeline_mode = #tpu.pipeline_mode<synchronous>, transform_indices = @transform_1, window_bounds = array<i64: 1024, 3>}, {transform_indices = @transform_2, window_bounds = array<i64: 3, 1024>}, {transform_indices = @transform_3, window_bounds = array<i64: 1024, 3>}]} {
    %get3A = arith.constant 0 : index
    %get3A_0 = arith.constant 0 : index
    %get3A_1 = vector.load %arg1[%get3A, %get3A_0] : memref<3x1024xf32, #tpu.memory_space<vmem>>, vector<3x1024xf32>
    %get3A_2 = arith.constant 0 : index
    %get3A_3 = arith.constant 0 : index
    %get3A_4 = vector.load %arg2[%get3A_2, %get3A_3] : memref<1024x3xf32, #tpu.memory_space<vmem>>, vector<1024x3xf32>
    %broadcast_in_dim3A = arith.constant 0.000000e+00 : f32
    %broadcast_in_dim3A_5 = vector.broadcast %broadcast_in_dim3A : f32 to vector<1024x1024xf32>
    %slice3A = vector.extract_strided_slice %get3A_4 {offsets = [0, 0], sizes = [1024, 1], strides = [1, 1]} : vector<1024x3xf32> to vector<1024x1xf32>
    %slice3A_6 = vector.extract_strided_slice %get3A_1 {offsets = [0, 0], sizes = [1, 1024], strides = [1, 1]} : vector<3x1024xf32> to vector<1x1024xf32>
    %sub3A = vector.broadcast %slice3A : vector<1024x1xf32> to vector<1024x1024xf32>
    %sub3A_7 = vector.broadcast %slice3A_6 : vector<1x1024xf32> to vector<1024x1024xf32>
    %sub3A_8 = arith.subf %sub3A, %sub3A_7 : vector<1024x1024xf32>
    %mul3A = arith.mulf %sub3A_8, %sub3A_8 : vector<1024x1024xf32>
    %add3A = arith.addf %broadcast_in_dim3A_5, %mul3A : vector<1024x1024xf32>
    %slice3A_9 = vector.extract_strided_slice %get3A_4 {offsets = [0, 1], sizes = [1024, 1], strides = [1, 1]} : vector<1024x3xf32> to vector<1024x1xf32>
    %slice3A_10 = vector.extract_strided_slice %get3A_1 {offsets = [1, 0], sizes = [1, 1024], strides = [1, 1]} : vector<3x1024xf32> to vector<1x1024xf32>
    %sub3A_11 = vector.broadcast %slice3A_9 : vector<1024x1xf32> to vector<1024x1024xf32>
    %sub3A_12 = vector.broadcast %slice3A_10 : vector<1x1024xf32> to vector<1024x1024xf32>
    %sub3A_13 = arith.subf %sub3A_11, %sub3A_12 : vector<1024x1024xf32>
    %mul3A_14 = arith.mulf %sub3A_13, %sub3A_13 : vector<1024x1024xf32>
    %add3A_15 = arith.addf %add3A, %mul3A_14 : vector<1024x1024xf32>
    %slice3A_16 = vector.extract_strided_slice %get3A_4 {offsets = [0, 2], sizes = [1024, 1], strides = [1, 1]} : vector<1024x3xf32> to vector<1024x1xf32>
    %slice3A_17 = vector.extract_strided_slice %get3A_1 {offsets = [2, 0], sizes = [1, 1024], strides = [1, 1]} : vector<3x1024xf32> to vector<1x1024xf32>
    %sub3A_18 = vector.broadcast %slice3A_16 : vector<1024x1xf32> to vector<1024x1024xf32>
    %sub3A_19 = vector.broadcast %slice3A_17 : vector<1x1024xf32> to vector<1024x1024xf32>
    %sub3A_20 = arith.subf %sub3A_18, %sub3A_19 : vector<1024x1024xf32>
    %mul3A_21 = arith.mulf %sub3A_20, %sub3A_20 : vector<1024x1024xf32>
    %add3A_22 = arith.addf %add3A_15, %mul3A_21 : vector<1024x1024xf32>
    %iota3A = tpu.iota {dimensions = array<i32: 0>} : vector<1024x1024xi32>
    %bitcast_convert_type3A = tpu.bitcast %add3A_22 : vector<1024x1024xf32> -> vector<1024x1024xi32>
    %add3A_23 = arith.constant 512 : i32
    %add3A_24 = vector.broadcast %add3A_23 : i32 to vector<1024x1024xi32>
    %add3A_25 = arith.addi %bitcast_convert_type3A, %add3A_24 : vector<1024x1024xi32>
    %and3A = arith.constant -1024 : i32
    %and3A_26 = vector.broadcast %and3A : i32 to vector<1024x1024xi32>
    %and3A_27 = arith.andi %add3A_25, %and3A_26 : vector<1024x1024xi32>
    %or3A = arith.ori %and3A_27, %iota3A : vector<1024x1024xi32>
    %broadcast_in_dim3A_28 = arith.constant 0.000000e+00 : f32
    %broadcast_in_dim3A_29 = vector.broadcast %broadcast_in_dim3A_28 : f32 to vector<1x1024xf32>
    %bitcast_convert_type3A_30 = tpu.bitcast %or3A : vector<1024x1024xi32> -> vector<1024x1024xf32>
    %reduce_min3A = arith.constant dense<0x7F800000> : vector<1024xf32>
    %reduce_min3A_31 = vector.multi_reduction <minimumf>, %bitcast_convert_type3A_30, %reduce_min3A [0] : vector<1024x1024xf32> to vector<1024xf32>
    %broadcast_in_dim3A_32 = vector.shape_cast %reduce_min3A_31 : vector<1024xf32> to vector<1x1024xf32>
    %bitcast_convert_type3A_33 = tpu.bitcast %broadcast_in_dim3A_32 : vector<1x1024xf32> -> vector<1x1024xi32>
    %and3A_34 = arith.constant -1024 : i32
    %and3A_35 = vector.broadcast %and3A_34 : i32 to vector<1x1024xi32>
    %and3A_36 = arith.andi %bitcast_convert_type3A_33, %and3A_35 : vector<1x1024xi32>
    %bitcast_convert_type3A_37 = tpu.bitcast %and3A_36 : vector<1x1024xi32> -> vector<1x1024xf32>
    %sqrt3A = math.sqrt %bitcast_convert_type3A_37 : vector<1x1024xf32>
    %add3A_38 = arith.constant 9.99999993E-9 : f32
    %add3A_39 = vector.broadcast %add3A_38 : f32 to vector<1x1024xf32>
    %add3A_40 = arith.addf %sqrt3A, %add3A_39 : vector<1x1024xf32>
    %div3A = arith.constant 1.000000e+00 : f32
    %div3A_41 = vector.broadcast %div3A : f32 to vector<1x1024xf32>
    %div3A_42 = arith.divf %div3A_41, %add3A_40 : vector<1x1024xf32>
    %add3A_43 = arith.addf %broadcast_in_dim3A_29, %div3A_42 : vector<1x1024xf32>
    %and3A_44 = arith.constant 1023 : i32
    %and3A_45 = vector.broadcast %and3A_44 : i32 to vector<1x1024xi32>
    %and3A_46 = arith.andi %bitcast_convert_type3A_33, %and3A_45 : vector<1x1024xi32>
    %eq3A = vector.broadcast %bitcast_convert_type3A_33 : vector<1x1024xi32> to vector<1024x1024xi32>
    %eq3A_47 = arith.cmpi eq, %or3A, %eq3A : vector<1024x1024xi32>
    %jit3A = arith.constant 2139095039 : i32
    %broadcast_in_dim3A_48 = vector.broadcast %jit3A : i32 to vector<1024x1024xi32>
    %select_n3A = arith.select %eq3A_47, %broadcast_in_dim3A_48, %or3A : vector<1024x1024xi1>, vector<1024x1024xi32>
    %bitcast_convert_type3A_49 = tpu.bitcast %select_n3A : vector<1024x1024xi32> -> vector<1024x1024xf32>
    %reduce_min3A_50 = arith.constant dense<0x7F800000> : vector<1024xf32>
    %reduce_min3A_51 = vector.multi_reduction <minimumf>, %bitcast_convert_type3A_49, %reduce_min3A_50 [0] : vector<1024x1024xf32> to vector<1024xf32>
    %broadcast_in_dim3A_52 = vector.shape_cast %reduce_min3A_51 : vector<1024xf32> to vector<1x1024xf32>
    %bitcast_convert_type3A_53 = tpu.bitcast %broadcast_in_dim3A_52 : vector<1x1024xf32> -> vector<1x1024xi32>
    %and3A_54 = arith.constant -1024 : i32
    %and3A_55 = vector.broadcast %and3A_54 : i32 to vector<1x1024xi32>
    %and3A_56 = arith.andi %bitcast_convert_type3A_53, %and3A_55 : vector<1x1024xi32>
    %bitcast_convert_type3A_57 = tpu.bitcast %and3A_56 : vector<1x1024xi32> -> vector<1x1024xf32>
    %sqrt3A_58 = math.sqrt %bitcast_convert_type3A_57 : vector<1x1024xf32>
    %add3A_59 = arith.constant 9.99999993E-9 : f32
    %add3A_60 = vector.broadcast %add3A_59 : f32 to vector<1x1024xf32>
    %add3A_61 = arith.addf %sqrt3A_58, %add3A_60 : vector<1x1024xf32>
    %div3A_62 = arith.constant 1.000000e+00 : f32
    %div3A_63 = vector.broadcast %div3A_62 : f32 to vector<1x1024xf32>
    %div3A_64 = arith.divf %div3A_63, %add3A_61 : vector<1x1024xf32>
    %add3A_65 = arith.addf %add3A_43, %div3A_64 : vector<1x1024xf32>
    %and3A_66 = arith.constant 1023 : i32
    %and3A_67 = vector.broadcast %and3A_66 : i32 to vector<1x1024xi32>
    %and3A_68 = arith.andi %bitcast_convert_type3A_53, %and3A_67 : vector<1x1024xi32>
    %eq3A_69 = vector.broadcast %bitcast_convert_type3A_53 : vector<1x1024xi32> to vector<1024x1024xi32>
    %eq3A_70 = arith.cmpi eq, %select_n3A, %eq3A_69 : vector<1024x1024xi32>
    %jit3A_71 = arith.constant 2139095039 : i32
    %broadcast_in_dim3A_72 = vector.broadcast %jit3A_71 : i32 to vector<1024x1024xi32>
    %select_n3A_73 = arith.select %eq3A_70, %broadcast_in_dim3A_72, %select_n3A : vector<1024x1024xi1>, vector<1024x1024xi32>
    %bitcast_convert_type3A_74 = tpu.bitcast %select_n3A_73 : vector<1024x1024xi32> -> vector<1024x1024xf32>
    %reduce_min3A_75 = arith.constant dense<0x7F800000> : vector<1024xf32>
    %reduce_min3A_76 = vector.multi_reduction <minimumf>, %bitcast_convert_type3A_74, %reduce_min3A_75 [0] : vector<1024x1024xf32> to vector<1024xf32>
    %broadcast_in_dim3A_77 = vector.shape_cast %reduce_min3A_76 : vector<1024xf32> to vector<1x1024xf32>
    %bitcast_convert_type3A_78 = tpu.bitcast %broadcast_in_dim3A_77 : vector<1x1024xf32> -> vector<1x1024xi32>
    %and3A_79 = arith.constant -1024 : i32
    %and3A_80 = vector.broadcast %and3A_79 : i32 to vector<1x1024xi32>
    %and3A_81 = arith.andi %bitcast_convert_type3A_78, %and3A_80 : vector<1x1024xi32>
    %bitcast_convert_type3A_82 = tpu.bitcast %and3A_81 : vector<1x1024xi32> -> vector<1x1024xf32>
    %sqrt3A_83 = math.sqrt %bitcast_convert_type3A_82 : vector<1x1024xf32>
    %add3A_84 = arith.constant 9.99999993E-9 : f32
    %add3A_85 = vector.broadcast %add3A_84 : f32 to vector<1x1024xf32>
    %add3A_86 = arith.addf %sqrt3A_83, %add3A_85 : vector<1x1024xf32>
    %div3A_87 = arith.constant 1.000000e+00 : f32
    %div3A_88 = vector.broadcast %div3A_87 : f32 to vector<1x1024xf32>
    %div3A_89 = arith.divf %div3A_88, %add3A_86 : vector<1x1024xf32>
    %add3A_90 = arith.addf %add3A_65, %div3A_89 : vector<1x1024xf32>
    %and3A_91 = arith.constant 1023 : i32
    %and3A_92 = vector.broadcast %and3A_91 : i32 to vector<1x1024xi32>
    %and3A_93 = arith.andi %bitcast_convert_type3A_78, %and3A_92 : vector<1x1024xi32>
    %concatenate3A = tpu.concatenate %and3A_46, %and3A_68, %and3A_93 in 0 : vector<1x1024xi32>, vector<1x1024xi32>, vector<1x1024xi32> -> vector<3x1024xi32>
    %swap3A = arith.constant 0 : index
    %swap3A_94 = arith.constant 0 : index
    %swap3A_95 = vector.load %arg3[%swap3A, %swap3A_94] : memref<3x1024xi32, #tpu.memory_space<vmem>>, vector<3x1024xi32>
    tpu.vector_store %arg3[%swap3A, %swap3A_94], %concatenate3A {strides = array<i32>} : memref<3x1024xi32, #tpu.memory_space<vmem>>, vector<3x1024xi32>,
    %div3A_96 = arith.constant 1.000000e+00 : f32
    %div3A_97 = vector.broadcast %div3A_96 : f32 to vector<1x1024xf32>
    %div3A_98 = arith.divf %div3A_97, %add3A_90 : vector<1x1024xf32>
    %mul3A_99 = arith.mulf %div3A_42, %div3A_98 : vector<1x1024xf32>
    %mul3A_100 = arith.mulf %div3A_64, %div3A_98 : vector<1x1024xf32>
    %mul3A_101 = arith.mulf %div3A_89, %div3A_98 : vector<1x1024xf32>
    %concatenate3A_102 = tpu.concatenate %mul3A_99, %mul3A_100, %mul3A_101 in 0 : vector<1x1024xf32>, vector<1x1024xf32>, vector<1x1024xf32> -> vector<3x1024xf32>
    %transpose3A = tpu.transpose %concatenate3A_102, [1, 0] : vector<3x1024xf32> -> vector<1024x3xf32>
    %swap3A_103 = arith.constant 0 : index
    %swap3A_104 = arith.constant 0 : index
    %swap3A_105 = vector.load %arg4[%swap3A_103, %swap3A_104] : memref<1024x3xf32, #tpu.memory_space<vmem>>, vector<1024x3xf32>
    tpu.vector_store %arg4[%swap3A_103, %swap3A_104], %transpose3A {strides = array<i32>} : memref<1024x3xf32, #tpu.memory_space<vmem>>, vector<1024x3xf32>,
    return
  }
  func.func @transform_0(%arg0: i32) -> (i32, i32) {
    %c0_i32 = arith.constant 0 : i32
    %c0_i32_0 = arith.constant 0 : i32
    return %c0_i32, %arg0 : i32, i32
  }
  func.func @transform_1(%arg0: i32) -> (i32, i32) {
    %c0_i32 = arith.constant 0 : i32
    %c0_i32_0 = arith.constant 0 : i32
    %c0_i32_1 = arith.constant 0 : i32
    return %c0_i32, %c0_i32_0 : i32, i32
  }
  func.func @transform_2(%arg0: i32) -> (i32, i32) {
    %c0_i32 = arith.constant 0 : i32
    %c0_i32_0 = arith.constant 0 : i32
    return %c0_i32, %arg0 : i32, i32
  }
  func.func @transform_3(%arg0: i32) -> (i32, i32) {
    %c0_i32 = arith.constant 0 : i32
    %c0_i32_0 = arith.constant 0 : i32
    return %arg0, %c0_i32 : i32, i32
  }
}

module attributes {stable_mosaic.version = 14 : i64} {
  func.func @_mlp_body(%arg0: i32, %arg1: memref<3x1024x128xf32, #tpu.memory_space<vmem>>, %arg2: memref<1024x3xf32, #tpu.memory_space<vmem>>, %arg3: memref<64x1024xf32, #tpu.memory_space<vmem>>, %arg4: memref<64x64xf32, #tpu.memory_space<vmem>>, %arg5: memref<64x64xf32, #tpu.memory_space<vmem>>, %arg6: memref<64x1xf32, #tpu.memory_space<vmem>>, %arg7: memref<64x1024xf32, #tpu.memory_space<vmem>>) attributes {dimension_semantics = [#tpu.dimension_semantics<arbitrary>], iteration_bounds = array<i64: 16>, scalar_prefetch = 0 : i64, scratch_operands = 0 : i64, tpu.core_type = #tpu.core_type<tc>, window_params = [{transform_indices = @transform_0, window_bounds = array<i64: 3, 1024, 128>}, {transform_indices = @transform_1, window_bounds = array<i64: 1024, 3>}, {transform_indices = @transform_2, window_bounds = array<i64: 64, 1024>}, {pipeline_mode = #tpu.pipeline_mode<synchronous>, transform_indices = @transform_3, window_bounds = array<i64: 64, 64>}, {pipeline_mode = #tpu.pipeline_mode<synchronous>, transform_indices = @transform_4, window_bounds = array<i64: 64, 64>}, {pipeline_mode = #tpu.pipeline_mode<synchronous>, transform_indices = @transform_5, window_bounds = array<i64: 64, 1>}, {transform_indices = @transform_6, window_bounds = array<i64: 64, 1024>}]} {
    %get3A = arith.constant 0 : index
    %get3A_0 = arith.constant 0 : index
    %get3A_1 = vector.load %arg2[%get3A, %get3A_0] : memref<1024x3xf32, #tpu.memory_space<vmem>>, vector<1024x3xf32>
    %get3A_2 = arith.constant 0 : index
    %get3A_3 = arith.constant 0 : index
    %get3A_4 = arith.constant 0 : index
    %get3A_5 = vector.load %arg1[%get3A_2, %get3A_3, %get3A_4] : memref<3x1024x128xf32, #tpu.memory_space<vmem>>, vector<1x1024x64xf32>
    %get3A_6 = vector.shape_cast %get3A_5 : vector<1x1024x64xf32> to vector<1024x64xf32>
    %slice3A = vector.extract_strided_slice %get3A_1 {offsets = [0, 0], sizes = [1024, 1], strides = [1, 1]} : vector<1024x3xf32> to vector<1024x1xf32>
    %mul3A = vector.broadcast %slice3A : vector<1024x1xf32> to vector<1024x64xf32>
    %mul3A_7 = arith.mulf %get3A_6, %mul3A : vector<1024x64xf32>
    %get3A_8 = arith.constant 1 : index
    %get3A_9 = arith.constant 0 : index
    %get3A_10 = arith.constant 0 : index
    %get3A_11 = vector.load %arg1[%get3A_8, %get3A_9, %get3A_10] : memref<3x1024x128xf32, #tpu.memory_space<vmem>>, vector<1x1024x64xf32>
    %get3A_12 = vector.shape_cast %get3A_11 : vector<1x1024x64xf32> to vector<1024x64xf32>
    %slice3A_13 = vector.extract_strided_slice %get3A_1 {offsets = [0, 1], sizes = [1024, 1], strides = [1, 1]} : vector<1024x3xf32> to vector<1024x1xf32>
    %mul3A_14 = vector.broadcast %slice3A_13 : vector<1024x1xf32> to vector<1024x64xf32>
    %mul3A_15 = arith.mulf %get3A_12, %mul3A_14 : vector<1024x64xf32>
    %add3A = arith.addf %mul3A_7, %mul3A_15 : vector<1024x64xf32>
    %get3A_16 = arith.constant 2 : index
    %get3A_17 = arith.constant 0 : index
    %get3A_18 = arith.constant 0 : index
    %get3A_19 = vector.load %arg1[%get3A_16, %get3A_17, %get3A_18] : memref<3x1024x128xf32, #tpu.memory_space<vmem>>, vector<1x1024x64xf32>
    %get3A_20 = vector.shape_cast %get3A_19 : vector<1x1024x64xf32> to vector<1024x64xf32>
    %slice3A_21 = vector.extract_strided_slice %get3A_1 {offsets = [0, 2], sizes = [1024, 1], strides = [1, 1]} : vector<1024x3xf32> to vector<1024x1xf32>
    %mul3A_22 = vector.broadcast %slice3A_21 : vector<1024x1xf32> to vector<1024x64xf32>
    %mul3A_23 = arith.mulf %get3A_20, %mul3A_22 : vector<1024x64xf32>
    %add3A_24 = arith.addf %add3A, %mul3A_23 : vector<1024x64xf32>
    %get3A_25 = arith.constant 0 : index
    %get3A_26 = arith.constant 0 : index
    %get3A_27 = vector.load %arg4[%get3A_25, %get3A_26] : memref<64x64xf32, #tpu.memory_space<vmem>>, vector<64x64xf32>
    %dot_general3A = arith.constant dense<0.000000e+00> : vector<64x1024xf32>
    %dot_general3A_28 = tpu.matmul %get3A_27, %add3A_24, %dot_general3A {dimension_numbers = #tpu.dot_dimension_numbers<[1], [1], [0], [0], [0, 0, 1, 0], [], []>, transpose_lhs_hint = false} : vector<64x64xf32>, vector<1024x64xf32>, vector<64x1024xf32> -> vector<64x1024xf32>
    %get3A_29 = arith.constant 0 : index
    %get3A_30 = arith.constant 0 : index
    %get3A_31 = vector.load %arg5[%get3A_29, %get3A_30] : memref<64x64xf32, #tpu.memory_space<vmem>>, vector<64x64xf32>
    %get3A_32 = arith.constant 0 : index
    %get3A_33 = arith.constant 0 : index
    %get3A_34 = vector.load %arg3[%get3A_32, %get3A_33] : memref<64x1024xf32, #tpu.memory_space<vmem>>, vector<64x1024xf32>
    %dot_general3A_35 = arith.constant dense<0.000000e+00> : vector<64x1024xf32>
    %dot_general3A_36 = tpu.matmul %get3A_31, %get3A_34, %dot_general3A_35 {dimension_numbers = #tpu.dot_dimension_numbers<[1], [0], [0], [1], [0, 0, 1, 1], [], []>, transpose_lhs_hint = false} : vector<64x64xf32>, vector<64x1024xf32>, vector<64x1024xf32> -> vector<64x1024xf32>
    %add3A_37 = arith.addf %dot_general3A_28, %dot_general3A_36 : vector<64x1024xf32>
    %get3A_38 = arith.constant 0 : index
    %get3A_39 = arith.constant 0 : index
    %get3A_40 = vector.load %arg6[%get3A_38, %get3A_39] : memref<64x1xf32, #tpu.memory_space<vmem>>, vector<64x1xf32>
    %add3A_41 = vector.broadcast %get3A_40 : vector<64x1xf32> to vector<64x1024xf32>
    %add3A_42 = arith.addf %add3A_37, %add3A_41 : vector<64x1024xf32>
    %max3A = arith.constant 0.000000e+00 : f32
    %max3A_43 = vector.broadcast %max3A : f32 to vector<64x1024xf32>
    %max3A_44 = arith.maximumf %add3A_42, %max3A_43 : vector<64x1024xf32>
    %swap3A = arith.constant 0 : index
    %swap3A_45 = arith.constant 0 : index
    %swap3A_46 = vector.load %arg7[%swap3A, %swap3A_45] : memref<64x1024xf32, #tpu.memory_space<vmem>>, vector<64x1024xf32>
    tpu.vector_store %arg7[%swap3A, %swap3A_45], %max3A_44 {strides = array<i32>} : memref<64x1024xf32, #tpu.memory_space<vmem>>, vector<64x1024xf32>,
    return
  }
  func.func @transform_0(%arg0: i32) -> (i32, i32, i32) {
    %c0_i32 = arith.constant 0 : i32
    %c0_i32_0 = arith.constant 0 : i32
    %c0_i32_1 = arith.constant 0 : i32
    return %c0_i32, %arg0, %c0_i32_0 : i32, i32, i32
  }
  func.func @transform_1(%arg0: i32) -> (i32, i32) {
    %c0_i32 = arith.constant 0 : i32
    %c0_i32_0 = arith.constant 0 : i32
    return %arg0, %c0_i32 : i32, i32
  }
  func.func @transform_2(%arg0: i32) -> (i32, i32) {
    %c0_i32 = arith.constant 0 : i32
    %c0_i32_0 = arith.constant 0 : i32
    return %c0_i32, %arg0 : i32, i32
  }
  func.func @transform_3(%arg0: i32) -> (i32, i32) {
    %c0_i32 = arith.constant 0 : i32
    %c0_i32_0 = arith.constant 0 : i32
    %c0_i32_1 = arith.constant 0 : i32
    return %c0_i32, %c0_i32_0 : i32, i32
  }
  func.func @transform_4(%arg0: i32) -> (i32, i32) {
    %c0_i32 = arith.constant 0 : i32
    %c0_i32_0 = arith.constant 0 : i32
    %c0_i32_1 = arith.constant 0 : i32
    return %c0_i32, %c0_i32_0 : i32, i32
  }
  func.func @transform_5(%arg0: i32) -> (i32, i32) {
    %c0_i32 = arith.constant 0 : i32
    %c0_i32_0 = arith.constant 0 : i32
    %c0_i32_1 = arith.constant 0 : i32
    return %c0_i32, %c0_i32_0 : i32, i32
  }
  func.func @transform_6(%arg0: i32) -> (i32, i32) {
    %c0_i32 = arith.constant 0 : i32
    %c0_i32_0 = arith.constant 0 : i32
    return %c0_i32, %arg0 : i32, i32
  }
}

</mosaic_0001>

<sc_bundles>
// kernel: kernel.12.cloned.1.call-start
scs
__scs_entry_jumppad:
0x0: {  	(pc) =	sbr.rel $0x88, $3  }
0x1: {  	(tag) =	ssettag $0x0;
	lr =	simm.s32 $0x1  }
0x2: {  	[smem:$0x3F9B] =	sst lr;
	_ =	strace $0xD0000000  }
0x3: {  	_ = 	snop  }
0x4: {  	_ = 	snop  }
0x5: {  	_ = 	snop  }
0x6: {  	_ = 	snop  }
0x7: {  	_ = 	snop  }
__scs_overlays_trampoline_lowered:
0x8: {  	[smem:$0x3FAA] =	sst s0  }
0x9: {  	[smem:$0x3FAB] =	sst s1  }
0xa: {  	[smem:$0x3FAC] =	sst s2  }
0xb: {  	[smem:$0x3FAD] =	sst s3  }
0xc: {  	[smem:$0x3FAE] =	sst s4  }
0xd: {  	[smem:$0x3FAF] =	sst s5  }
0xe: {  	[smem:$0x3FB0] =	sst s6  }
0xf: {  	[smem:$0x3FB1] =	sst s7  }
0x10: {  	[smem:$0x3FB2] =	sst s8  }
0x11: {  	[smem:$0x3FB3] =	sst s9;
	s0 =	simm.s32 @!p0 $0x0  }
0x12: {  	s1 =	sld [smem:$0x3F99];
	s0 =	simm.s32 @p0 $0x1  }
0x13: {  	[smem:$0x3FB4] =	sst s0;
	s0 =	simm.s32 @!p1 $0x0  }
0x14: {  	s2 =	sld [smem:$0x3F98];
	s0 =	simm.s32 @p1 $0x1  }
0x15: {  	[smem:$0x3FB5] =	sst s0;
	s0 =	simm.s32 @!p2 $0x0  }
0x16: {  	s3 =	sld [smem:$0x3FDB];
	s0 =	simm.s32 @p2 $0x1  }
0x17: {  	s4 =	simm.s32 $0x1BF5;
	[smem:$0x3FB7] =	sst s0  }
0x18: {  	s0 =	sld [smem:$0x3F9A];
	_ =	swait.ge [sflag:s4], $0x0  }
0x19: {  	s7 =	sld [smem:$0x3F9B]  }
0x1a: {  	s8 =	sadd.s32 $0xFFFFE003, lr  }
0x1b: {  	s9 =	sadd.s32 $0xFFFFFEF7, lr;
	s5 =	simm.s32 $0xFFFFFFFF;
	p2 =	slt.u32 s8, $0xFFFFF086  }
0x1c: {  	p1 =	slt.u32 s9, $0xF7A;
	s5 =	simm.s32 @!p2 $0x0  }
0x1d: {  	s5 =	simm.s32 @p1 $0x1;
	p0 =	seq.s32 s7, s2  }
0x1e: {  	s7 =	smul.u32 @!p0 $0xF7A, s2;
	p2 =	seq.s32 @!p0 s5, $0x0  }
0x1f: {  	s9 =	smul.u32 $0xF7A, s1;
	s8 =	simm.s32 @!p0 $0x1BF5;
	p2 =	por !p2, p0  }
0x20: {  	[sflag:s8] =	ssyncset.s32 @!p0 $0xFFFFF086;
	s6 =	sadd.s32 @!p0 s3, s7;
	s7 =	simm.s32 @!p0 $0x108  }
0x21: {  	s3 =	sadd.s32 s3, s9;
	s6 =	sadd.s32 @!p0 $0x88, s6;
	s7 =	simm.s32 @p2 $0x1082  }
0x22: {  	[simem:s7], [sflag:s8] =	dma.local @!p0 [hbm:s6], $0xF7A  }
0x23: {  	s9 =	sor.u32 $0xD0000000, s2;
	s6 =	simm.s32 $0x108;
	_ =	swait.ge @!p0 [sflag:s8], $0x0  }
0x24: {  	s3 =	sadd.s32 $0x88, s3;
	s6 =	simm.s32 @!p1 $0x1082;
	[sflag:s4] =	ssyncset.s32 $0xFFFFF086  }
0x25: {  	[simem:s6], [sflag:s4] =	dma.local [hbm:s3], $0xF7A  }
0x26: {  	[smem:$0x3F9B] =	sst s1;
	(tag) =	ssettag s2;
	_ =	strace s9  }
0x27: {  	s1 =	sld [smem:$0x3FAB]  }
0x28: {  	s2 =	sld [smem:$0x3FAC]  }
0x29: {  	s4 =	sld [smem:$0x3FAE]  }
0x2a: {  	p0 =	seq.s32 s5, $0x0;
	s5 =	sld [smem:$0x3FAF]  }
0x2b: {  	s6 =	sld [smem:$0x3FB0]  }
0x2c: {  	s7 =	sld [smem:$0x3FB1]  }
0x2d: {  	s3 =	simm.s32 $0x108;
	s8 =	sld [smem:$0x3FB2]  }
0x2e: {  	s3 =	simm.s32 @!p0 $0x1082;
	s9 =	sld [smem:$0x3FB3]  }
0x2f: {  	lr =	sadd.s32 s0, s3;
	s0 =	sld [smem:$0x3FAA]  }
0x30: {  	s3 =	sld [smem:$0x3FAD]  }
0x31: {  	[smem:$0x3FB6] =	sst s10  }
0x32: {  	s10 =	sld [smem:$0x3FB4];
	_ =	sdelay $0x3  }
0x33: {  	p0 =	seq.s32 s10, $0x1;
	s10 =	sld [smem:$0x3FB6];
	_ =	sdelay $0x3  }
0x34: {  	[smem:$0x3FB6] =	sst s10  }
0x35: {  	s10 =	sld [smem:$0x3FB5];
	_ =	sdelay $0x3  }
0x36: {  	p1 =	seq.s32 s10, $0x1;
	s10 =	sld [smem:$0x3FB6];
	_ =	sdelay $0x3  }
0x37: {  	[smem:$0x3FB6] =	sst s10  }
0x38: {  	s10 =	sld [smem:$0x3FB7]  }
0x39: {  	_ = 	snop;
	(pc) =	sbr.ind lr, $3  }
0x3a: {  	_ = 	snop  }
0x3b: {  	_ = 	snop  }
0x3c: {  	p2 =	seq.s32 s10, $0x1;
	s10 =	sld [smem:$0x3FB6]  }
0x3d: {  	_ =	shalt  }
0x3e: {  	_ =	shalt  }
0x3f: {  	_ =	shalt  }
0x40: {  	_ =	shalt  }
0x41: {  	_ =	shalt  }
0x42: {  	_ =	shalt  }
0x43: {  	_ =	shalt  }
0x44: {  	_ =	shalt  }
0x45: {  	_ =	shalt  }
0x46: {  	_ =	shalt  }
0x47: {  	_ =	shalt  }
0x48: {  	_ =	shalt  }
0x49: {  	_ =	shalt  }
0x4a: {  	_ =	shalt  }
0x4b: {  	_ =	shalt  }
0x4c: {  	_ =	shalt  }
0x4d: {  	_ =	shalt  }
0x4e: {  	_ =	shalt  }
0x4f: {  	_ =	shalt  }
0x50: {  	_ =	shalt  }
0x51: {  	_ =	shalt  }
0x52: {  	_ =	shalt  }
0x53: {  	_ =	shalt  }
0x54: {  	_ =	shalt  }
0x55: {  	_ =	shalt  }
0x56: {  	_ =	shalt  }
0x57: {  	_ =	shalt  }
0x58: {  	_ =	shalt  }
0x59: {  	_ =	shalt  }
0x5a: {  	_ =	shalt  }
0x5b: {  	_ =	shalt  }
0x5c: {  	_ =	shalt  }
0x5d: {  	_ =	shalt  }
0x5e: {  	_ =	shalt  }
0x5f: {  	_ =	shalt  }
0x60: {  	_ =	shalt  }
0x61: {  	_ =	shalt  }
0x62: {  	_ =	shalt  }
0x63: {  	_ =	shalt  }
0x64: {  	_ =	shalt  }
0x65: {  	_ =	shalt  }
0x66: {  	_ =	shalt  }
0x67: {  	_ =	shalt  }
0x68: {  	_ =	shalt  }
0x69: {  	_ =	shalt  }
0x6a: {  	_ =	shalt  }
0x6b: {  	_ =	shalt  }
0x6c: {  	_ =	shalt  }
0x6d: {  	_ =	shalt  }
0x6e: {  	_ =	shalt  }
0x6f: {  	_ =	shalt  }
0x70: {  	_ =	shalt  }
0x71: {  	_ =	shalt  }
0x72: {  	_ =	shalt  }
0x73: {  	_ =	shalt  }
0x74: {  	_ =	shalt  }
0x75: {  	_ =	shalt  }
0x76: {  	_ =	shalt  }
0x77: {  	_ =	shalt  }
0x78: {  	_ =	shalt  }
0x79: {  	_ =	shalt  }
0x7a: {  	_ =	shalt  }
0x7b: {  	_ =	shalt  }
0x7c: {  	_ =	shalt  }
0x7d: {  	_ =	shalt  }
0x7e: {  	_ =	shalt  }
0x7f: {  	_ =	shalt  }
0x80: {  	_ =	shalt  }
0x81: {  	_ =	shalt  }
0x82: {  	_ =	shalt  }
0x83: {  	_ =	shalt  }
0x84: {  	_ =	shalt  }
0x85: {  	_ =	shalt  }
0x86: {  	_ =	shalt  }
0x87: {  	_ =	shalt  }
.Lfunc_end0:
.L_simem_size_0:
called_computation_lowered:
.L_overlay_start_0:
0x88: {  	s2 =	sld [smem:$0x3FD9]  }
0x89: {  	s3 =	sld [smem:$0x3FFE];
	_ =	sdelay $0x1  }
0x8a: {  	s1 =	srdreg.scid  }
0x8b: {  	s0 =	sand.u32 $0x1, s1  }
0x8c: {  	s16 =	sshll.u32 s0, $0xA;
	s2 =	sadd.s32 s3, s2  }
0x8d: {  	s2 =	sadd.s32 s2, s16  }
0x8e: {  	[smem:$0x3FC2] =	sst s2  }
0x8f: {  	_ = 	snop  }
0x90: {  	(tm) =	ssettm $0x1  }
0x91: {  	s17 =	sld [smem:$0x3FFB];
	_ =	sdelay $0x3  }
0x92: {  	_ =	strace s17  }
0x93: {  	s2 =	sld [smem:$0x3FFC];
	_ =	sdelay $0x3  }
0x94: {  	_ =	strace s2  }
0x95: {  	s2 =	sld [smem:$0x3FFD];
	_ =	sdelay $0x3  }
0x96: {  	_ =	strace s2  }
0x97: {  	_ =	strace $0x8FFFFFFF  }
0x98: {  	s18 =	sld [smem:$0x3FDB];
	_ =	sdelay $0x1  }
0x99: {  	s19 =	simm.s32 $_scs_section_size  }
0x9a: {  	s4 =	simm.s32 $_size__tile_overlayer_lowered;
	s5 =	simm.s32 $_tile_overlayer_lowered  }
0x9b: {  	s22 =	simm.s32 $0x1BFF;
	s21 =	sshll.u32 s5, $0x1;
	s2 =	sadd.s32 s19, s18  }
0x9c: {  	s6 =	simm.s32 $0x0;
	s20 =	sshll.u32 s4, $0x1;
	s4 =	sadd.s32 s21, s2  }
0x9d: {  	[timem:s6], [sflag:s22] =	dma.local [hbm:s4], s20  }
0x9e: {  	_ =	swait.ge [sflag:s22], s20  }
0x9f: {  	s3 =	ssub.s32 $0x0, s20;
	[sflag:s22] =	ssyncset.done $0x0  }
0xa0: {  	[sflag:s22] =	ssyncadd.s32 s3;
	_ =	sdelay $0x1  }
0xa1: {  	s23 =	simm.s32 $0x1B8B  }
0xa2: {  	_ =	swait.ge [sflag:s23], $0x1  }
0xa3: {  	[sflag:s23] =	ssyncset.done $0x0  }
0xa4: {  	s25 =	simm.s32 $0x1B8E;
	s24 =	sld [smem:$0x3FFE];
	[sflag:s23] =	ssyncadd.s32 $0xFFFFFFFF  }
0xa5: {  	s26 =	simm.s32 $execute0_lowered;
	[smem:$0x3FD2] =	sst s25  }
0xa6: {  	s4 =	sshll.u32 s26, $0x1;
	_ =	strace $0x80000046;
	[dreg:$0x1] =	wrdreg $0xFFFFFFFF  }
0xa7: {  	s28 =	simm.s32 $_size_execute0_lowered;
	s2 =	sadd.s32 s2, s4;
	[dreg:$0x0] =	wrdreg $0x0  }
0xa8: {  	s4 =	sshll.u32 s28, $0x1;
	[dreg:$0x2] =	wrdreg s2  }
0xa9: {  	[dreg:$0x3] =	wrdreg s4  }
0xaa: {  	[dreg:$0x4] =	wrdreg $0xC0  }
0xab: {  	_ =	task [dreg:s6], $0x5FFFF  }
0xac: {  	[dreg:$0x1] =	wrdreg $0xFFFFFFFF  }
0xad: {  	[dreg:$0x0] =	wrdreg $0x60  }
0xae: {  	[dreg:$0x2] =	wrdreg s24  }
0xaf: {  	[dreg:$0x3] =	wrdreg $0x9  }
0xb0: {  	_ =	task.clear_ibuf [dreg:s6], $0x4FFFF;
	_ =	strace $0x90000046  }
0xb1: {  	s29 =	simm.s32 $0x9;
	_ =	strace $0x80000048  }
0xb2: {  	_ =	swait.ge [sflag:s29], $0x1  }
0xb3: {  	[sflag:s29] =	ssyncadd.s32 $0xFFFFFFFF  }
0xb4: {  	_ =	strace $0x90000048  }
0xb5: {  	_ =	sfence  }
0xb6: {  	s30 =	sld [smem:$0x0];
	_ =	sdelay $0x2  }
0xb7: {  	s31 =	sshll.u32 s1, $0xD;
	s1 =	sshrl.u32 s1, $0x2  }
0xb8: {  	s3 =	sand.u32 $0x4000, s31;
	s1 =	sadd.s32 s1, s30  }
0xb9: {  	s0 =	sor.u32 s3, s0;
	s1 =	sshll.u32 s1, $0x11  }
0xba: {  	s0 =	sor.u32 s1, s0  }
0xbb: {  	s0 =	sadd.s32 $0x8F2B, s0  }
0xbc: {  	[sflag:s0] =	ssyncadd.remote.s32 $0x1  }
0xbd: {  	_ =	sfence.sel $0xFFFF  }
0xbe: {  	[dreg:$0x0] =	wrdreg $0xFFFFFFFF;
	(pc) =	sbr.abs _section_cstart, $3  }
0xbf: {  	[dreg:$0x1] =	wrdreg $0xFFFFFFFF  }
0xc0: {  	_ =	task.clear_ibuf [dreg:s6], $0x2FFFF;
	_ =	strace $0x9FFFFFFF  }
0xc1: {  	(tm) =	ssettm $0x7FFFFFFF  }
tec
execute0_lowered:
.L_overlay_start_1:
0x0: {  	(tag) =	ssettag $0x1  }
0x1: {  	s1 =	srdreg.scid;
	s0 =	stileid.u32  }
0x2: {  	s24 =	sand.u32 $0x1, s1;
	s30 =	sshll.u32 s0, $0x1  }
0x3: {  	s16 =	sor.u32 s24, s30  }
0x4: {  	s9 =	rddreg [dreg:$0x0];
	s3 =	smul.u32 $0x180, s16  }
0x5: {  	s2 =	simm.s32 $0x0;
	s1 =	rddreg [dreg:$0x1]  }
0x6: {  	[smem:$0x7FF] =	sst s2;
	s3 =	sadd.s32 s3, s9  }
0x7: {  	_ =	strace $0x80000047;
	s4 =	sadd.s32 $0x84000, s3;
	s3 =	simm.s32 $0x3  }
0x8: {  	[tilespmem:s2], [sflag:$0x3] =	stream.linear.gather [hbm4b:s4+s2], $0xC00, $0x38;
	[tilespmem:$0x18C00] =	vst v63  }
0x9: {  	_ =	swait.ge [sflag:s3], $0xC00  }
0xa: {  	s6 =	simm.s32 $0x180;
	s7 =	simm.s32 $0xC00;
	[sflag:s3] =	ssyncset.done $0x0  }
0xb: {  	s8 =	simm.s32 $0x1;
	s5 =	sadd.s32 $0x87000, s9;
	[sflag:s3] =	ssyncadd.s32 $0xFFFFF400  }
0xc: {  	[tilespmem:s7], [sflag:$0x1] =	stream.indirect.gather [hbm4b:s5+s6], $0x80, s2, s6, $0xb8;
	[tilespmem:$0x18C00] =	vst v63  }
0xd: {  	_ =	swait.ge [sflag:s8], $0xC000  }
0xe: {  	s17 =	sadd.s32 $0x97000, s9;
	[sflag:s8] =	ssyncset.done $0x0  }
0xf: {  	s10 =	smul.u32 $0xC000, s16;
	s9 =	simm.s32 $0xCC00;
	[sflag:s8] =	ssyncadd.s32 $0xFFFF4000  }
0x10: {  	[tilespmem:s9], [sflag:$0x2] =	stream.indirect.gather [hbm4b:s5+s6], $0x80, s6, s6, $0xb8;
	[tilespmem:$0x18C00] =	vst v63  }
0x11: {  	s10 =	sadd.s32 s17, s10  }
0x12: {  	[hbm4b:s10+s2] =	stream.linear.scatter [tilespmem:s7], [sflag:$0x3], $0xC000, $0x38;
	[tilespmem:$0x18C00] =	vst v63  }
0x13: {  	_ =	swait.ge [sflag:s3], $0xC000  }
0x14: {  	[sflag:s3] =	ssyncset.done $0x0  }
0x15: {  	s11 =	simm.s32 $0x2;
	[sflag:s3] =	ssyncadd.s32 $0xFFFF4000  }
0x16: {  	_ =	swait.ge [sflag:s11], $0xC000  }
0x17: {  	[sflag:s11] =	ssyncset.done $0x0  }
0x18: {  	s12 =	simm.s32 $0x300;
	[sflag:s11] =	ssyncadd.s32 $0xFFFF4000  }
0x19: {  	[tilespmem:s7], [sflag:$0x1] =	stream.indirect.gather [hbm4b:s5+s6], $0x80, s12, s6, $0xb8;
	[tilespmem:$0x18C00] =	vst v63  }
0x1a: {  	s13 =	sadd.s32 $0x1800, s10  }
0x1b: {  	[hbm4b:s13+s2] =	stream.linear.scatter [tilespmem:s9], [sflag:$0x3], $0xC000, $0x38;
	[tilespmem:$0x18C00] =	vst v63  }
0x1c: {  	_ =	swait.ge [sflag:s3], $0xC000  }
0x1d: {  	[sflag:s3] =	ssyncset.done $0x0  }
0x1e: {  	[sflag:s3] =	ssyncadd.s32 $0xFFFF4000  }
0x1f: {  	_ =	swait.ge [sflag:s8], $0xC000  }
0x20: {  	[sflag:s8] =	ssyncset.done $0x0  }
0x21: {  	s14 =	simm.s32 $0x480;
	[sflag:s8] =	ssyncadd.s32 $0xFFFF4000  }
0x22: {  	[tilespmem:s9], [sflag:$0x2] =	stream.indirect.gather [hbm4b:s5+s6], $0x80, s14, s6, $0xb8;
	[tilespmem:$0x18C00] =	vst v63  }
0x23: {  	s15 =	sadd.s32 $0x3000, s10  }
0x24: {  	[hbm4b:s15+s2] =	stream.linear.scatter [tilespmem:s7], [sflag:$0x3], $0xC000, $0x38;
	[tilespmem:$0x18C00] =	vst v63  }
0x25: {  	_ =	swait.ge [sflag:s3], $0xC000  }
0x26: {  	[sflag:s3] =	ssyncset.done $0x0  }
0x27: {  	s16 =	smul.u32 $0x60000, s16;
	[sflag:s3] =	ssyncadd.s32 $0xFFFF4000  }
0x28: {  	_ =	swait.ge [sflag:s11], $0xC000  }
0x29: {  	s16 =	sshrl.u32 s16, $0x3;
	[sflag:s11] =	ssyncset.done $0x0  }
0x2a: {  	s25 =	sadd.s32 s17, s16;
	s16 =	simm.s32 $0x600;
	[sflag:s11] =	ssyncadd.s32 $0xFFFF4000  }
0x2b: {  	[tilespmem:s7], [sflag:$0x1] =	stream.indirect.gather [hbm4b:s5+s6], $0x80, s16, s6, $0xb8;
	[tilespmem:$0x18C00] =	vst v63  }
0x2c: {  	s17 =	sadd.s32 $0x4800, s25  }
0x2d: {  	[hbm4b:s17+s2] =	stream.linear.scatter [tilespmem:s9], [sflag:$0x3], $0xC000, $0x38;
	[tilespmem:$0x18C00] =	vst v63  }
0x2e: {  	_ =	swait.ge [sflag:s3], $0xC000  }
0x2f: {  	[sflag:s3] =	ssyncset.done $0x0  }
0x30: {  	[sflag:s3] =	ssyncadd.s32 $0xFFFF4000  }
0x31: {  	_ =	swait.ge [sflag:s8], $0xC000  }
0x32: {  	[sflag:s8] =	ssyncset.done $0x0  }
0x33: {  	s18 =	simm.s32 $0x780;
	[sflag:s8] =	ssyncadd.s32 $0xFFFF4000  }
0x34: {  	[tilespmem:s9], [sflag:$0x2] =	stream.indirect.gather [hbm4b:s5+s6], $0x80, s18, s6, $0xb8;
	[tilespmem:$0x18C00] =	vst v63  }
0x35: {  	s19 =	sadd.s32 $0x6000, s25  }
0x36: {  	[hbm4b:s19+s2] =	stream.linear.scatter [tilespmem:s7], [sflag:$0x3], $0xC000, $0x38;
	[tilespmem:$0x18C00] =	vst v63  }
0x37: {  	_ =	swait.ge [sflag:s3], $0xC000  }
0x38: {  	[sflag:s3] =	ssyncset.done $0x0  }
0x39: {  	[sflag:s3] =	ssyncadd.s32 $0xFFFF4000  }
0x3a: {  	_ =	swait.ge [sflag:s11], $0xC000  }
0x3b: {  	[sflag:s11] =	ssyncset.done $0x0  }
0x3c: {  	s20 =	simm.s32 $0x900;
	[sflag:s11] =	ssyncadd.s32 $0xFFFF4000  }
0x3d: {  	[tilespmem:s7], [sflag:$0x1] =	stream.indirect.gather [hbm4b:s5+s6], $0x80, s20, s6, $0xb8;
	[tilespmem:$0x18C00] =	vst v63  }
0x3e: {  	s21 =	sadd.s32 $0x7800, s25  }
0x3f: {  	[hbm4b:s21+s2] =	stream.linear.scatter [tilespmem:s9], [sflag:$0x3], $0xC000, $0x38;
	[tilespmem:$0x18C00] =	vst v63  }
0x40: {  	_ =	swait.ge [sflag:s3], $0xC000  }
0x41: {  	[sflag:s3] =	ssyncset.done $0x0  }
0x42: {  	[sflag:s3] =	ssyncadd.s32 $0xFFFF4000  }
0x43: {  	_ =	swait.ge [sflag:s8], $0xC000  }
0x44: {  	[sflag:s8] =	ssyncset.done $0x0  }
0x45: {  	s22 =	simm.s32 $0xA80;
	[sflag:s8] =	ssyncadd.s32 $0xFFFF4000  }
0x46: {  	[tilespmem:s9], [sflag:$0x2] =	stream.indirect.gather [hbm4b:s5+s6], $0x80, s22, s6, $0xb8;
	[tilespmem:$0x18C00] =	vst v63  }
0x47: {  	s24 =	ssub.s32 $0x2, s24;
	s23 =	sadd.s32 $0x9000, s25  }
0x48: {  	[hbm4b:s23+s2] =	stream.linear.scatter [tilespmem:s7], [sflag:$0x3], $0xC000, $0x38;
	[tilespmem:$0x18C00] =	vst v63  }
0x49: {  	s26 =	sshrl.u32 s24, $0x1;
	_ =	swait.ge [sflag:s3], $0xC000  }
0x4a: {  	s26 =	ssub.s32 s24, s26;
	[sflag:s3] =	ssyncset.done $0x0  }
0x4b: {  	s31 =	smax.u32 s26, $0x1;
	[sflag:s3] =	ssyncadd.s32 $0xFFFF4000  }
0x4c: {  	p0 =	sne.s32 s31, $0x1;
	_ =	swait.ge [sflag:s11], $0xC000  }
.Ltmp0:
0x4d: {  	[sflag:s11] =	ssyncset.done $0x0;
	(pc) =	sbr.rel @!p0 .LBB2_2-.Ltmp0, $4  }
0x4e: {  	s24 =	sadd.s32 $0xA800, s25;
	[sflag:s11] =	ssyncadd.s32 $0xFFFF4000  }
0x4f: {  	[hbm4b:s24+s2] =	stream.linear.scatter [tilespmem:s9], [sflag:$0x3], $0xC000, $0x38;
	[tilespmem:$0x18C00] =	vst v63  }
0x50: {  	_ =	swait.ge [sflag:s3], $0xC000  }
0x51: {  	s25 =	sadd.s32 $0xFFFFFFFF, s31;
	[sflag:s3] =	ssyncset.done $0x0  }
.LBB2_1:
0x52: {  	p0 =	sne.s32 s25, $0x1;
	s25 =	sadd.s32 $0xFFFFFFFF, s25;
	[sflag:s3] =	ssyncadd.s32 $0xFFFF4000  }
0x53: {  	[tilespmem:s2], [sflag:$0x3] =	stream.linear.gather [hbm4b:s4+s2], $0xC00, $0x38;
	[tilespmem:$0x18C00] =	vst v63  }
0x54: {  	_ =	swait.ge [sflag:s3], $0xC00  }
0x55: {  	[sflag:s3] =	ssyncset.done $0x0  }
0x56: {  	[sflag:s3] =	ssyncadd.s32 $0xFFFFF400  }
0x57: {  	[tilespmem:s7], [sflag:$0x1] =	stream.indirect.gather [hbm4b:s5+s6], $0x80, s2, s6, $0xb8;
	[tilespmem:$0x18C00] =	vst v63  }
0x58: {  	_ =	swait.ge [sflag:s8], $0xC000  }
0x59: {  	[sflag:s8] =	ssyncset.done $0x0  }
0x5a: {  	[sflag:s8] =	ssyncadd.s32 $0xFFFF4000  }
0x5b: {  	[tilespmem:s9], [sflag:$0x2] =	stream.indirect.gather [hbm4b:s5+s6], $0x80, s6, s6, $0xb8;
	[tilespmem:$0x18C00] =	vst v63  }
0x5c: {  	_ = 	snop  }
0x5d: {  	[hbm4b:s10+s2] =	stream.linear.scatter [tilespmem:s7], [sflag:$0x3], $0xC000, $0x38;
	[tilespmem:$0x18C00] =	vst v63  }
0x5e: {  	_ =	swait.ge [sflag:s3], $0xC000  }
0x5f: {  	[sflag:s3] =	ssyncset.done $0x0  }
0x60: {  	[sflag:s3] =	ssyncadd.s32 $0xFFFF4000  }
0x61: {  	_ =	swait.ge [sflag:s11], $0xC000  }
0x62: {  	[sflag:s11] =	ssyncset.done $0x0  }
0x63: {  	[sflag:s11] =	ssyncadd.s32 $0xFFFF4000  }
0x64: {  	[tilespmem:s7], [sflag:$0x1] =	stream.indirect.gather [hbm4b:s5+s6], $0x80, s12, s6, $0xb8;
	[tilespmem:$0x18C00] =	vst v63  }
0x65: {  	_ = 	snop  }
0x66: {  	[hbm4b:s13+s2] =	stream.linear.scatter [tilespmem:s9], [sflag:$0x3], $0xC000, $0x38;
	[tilespmem:$0x18C00] =	vst v63  }
0x67: {  	_ =	swait.ge [sflag:s3], $0xC000  }
0x68: {  	[sflag:s3] =	ssyncset.done $0x0  }
0x69: {  	[sflag:s3] =	ssyncadd.s32 $0xFFFF4000  }
0x6a: {  	_ =	swait.ge [sflag:s8], $0xC000  }
0x6b: {  	[sflag:s8] =	ssyncset.done $0x0  }
0x6c: {  	[sflag:s8] =	ssyncadd.s32 $0xFFFF4000  }
0x6d: {  	[tilespmem:s9], [sflag:$0x2] =	stream.indirect.gather [hbm4b:s5+s6], $0x80, s14, s6, $0xb8;
	[tilespmem:$0x18C00] =	vst v63  }
0x6e: {  	_ = 	snop  }
0x6f: {  	[hbm4b:s15+s2] =	stream.linear.scatter [tilespmem:s7], [sflag:$0x3], $0xC000, $0x38;
	[tilespmem:$0x18C00] =	vst v63  }
0x70: {  	_ =	swait.ge [sflag:s3], $0xC000  }
0x71: {  	[sflag:s3] =	ssyncset.done $0x0  }
0x72: {  	[sflag:s3] =	ssyncadd.s32 $0xFFFF4000  }
0x73: {  	_ =	swait.ge [sflag:s11], $0xC000  }
0x74: {  	[sflag:s11] =	ssyncset.done $0x0  }
0x75: {  	[sflag:s11] =	ssyncadd.s32 $0xFFFF4000  }
0x76: {  	[tilespmem:s7], [sflag:$0x1] =	stream.indirect.gather [hbm4b:s5+s6], $0x80, s16, s6, $0xb8;
	[tilespmem:$0x18C00] =	vst v63  }
0x77: {  	_ = 	snop  }
0x78: {  	[hbm4b:s17+s2] =	stream.linear.scatter [tilespmem:s9], [sflag:$0x3], $0xC000, $0x38;
	[tilespmem:$0x18C00] =	vst v63  }
0x79: {  	_ =	swait.ge [sflag:s3], $0xC000  }
0x7a: {  	[sflag:s3] =	ssyncset.done $0x0  }
0x7b: {  	[sflag:s3] =	ssyncadd.s32 $0xFFFF4000  }
0x7c: {  	_ =	swait.ge [sflag:s8], $0xC000  }
0x7d: {  	[sflag:s8] =	ssyncset.done $0x0  }
0x7e: {  	[sflag:s8] =	ssyncadd.s32 $0xFFFF4000  }
0x7f: {  	[tilespmem:s9], [sflag:$0x2] =	stream.indirect.gather [hbm4b:s5+s6], $0x80, s18, s6, $0xb8;
	[tilespmem:$0x18C00] =	vst v63  }
0x80: {  	_ = 	snop  }
0x81: {  	[hbm4b:s19+s2] =	stream.linear.scatter [tilespmem:s7], [sflag:$0x3], $0xC000, $0x38;
	[tilespmem:$0x18C00] =	vst v63  }
0x82: {  	_ =	swait.ge [sflag:s3], $0xC000  }
0x83: {  	[sflag:s3] =	ssyncset.done $0x0  }
0x84: {  	[sflag:s3] =	ssyncadd.s32 $0xFFFF4000  }
0x85: {  	_ =	swait.ge [sflag:s11], $0xC000  }
0x86: {  	[sflag:s11] =	ssyncset.done $0x0  }
0x87: {  	[sflag:s11] =	ssyncadd.s32 $0xFFFF4000  }
0x88: {  	[tilespmem:s7], [sflag:$0x1] =	stream.indirect.gather [hbm4b:s5+s6], $0x80, s20, s6, $0xb8;
	[tilespmem:$0x18C00] =	vst v63  }
0x89: {  	_ = 	snop  }
0x8a: {  	[hbm4b:s21+s2] =	stream.linear.scatter [tilespmem:s9], [sflag:$0x3], $0xC000, $0x38;
	[tilespmem:$0x18C00] =	vst v63  }
0x8b: {  	_ =	swait.ge [sflag:s3], $0xC000  }
0x8c: {  	[sflag:s3] =	ssyncset.done $0x0  }
0x8d: {  	[sflag:s3] =	ssyncadd.s32 $0xFFFF4000  }
0x8e: {  	_ =	swait.ge [sflag:s8], $0xC000  }
0x8f: {  	[sflag:s8] =	ssyncset.done $0x0  }
0x90: {  	[sflag:s8] =	ssyncadd.s32 $0xFFFF4000  }
0x91: {  	[tilespmem:s9], [sflag:$0x2] =	stream.indirect.gather [hbm4b:s5+s6], $0x80, s22, s6, $0xb8;
	[tilespmem:$0x18C00] =	vst v63  }
0x92: {  	_ = 	snop  }
0x93: {  	[hbm4b:s23+s2] =	stream.linear.scatter [tilespmem:s7], [sflag:$0x3], $0xC000, $0x38;
	[tilespmem:$0x18C00] =	vst v63  }
0x94: {  	_ =	swait.ge [sflag:s3], $0xC000  }
0x95: {  	[sflag:s3] =	ssyncset.done $0x0  }
0x96: {  	[sflag:s3] =	ssyncadd.s32 $0xFFFF4000  }
0x97: {  	_ =	swait.ge [sflag:s11], $0xC000  }
.Ltmp1:
0x98: {  	[sflag:s11] =	ssyncset.done $0x0;
	(pc) =	sbr.rel @p0 .LBB2_1-.Ltmp1, $4  }
0x99: {  	[sflag:s11] =	ssyncadd.s32 $0xFFFF4000  }
0x9a: {  	[hbm4b:s24+s2] =	stream.linear.scatter [tilespmem:s9], [sflag:$0x3], $0xC000, $0x38;
	[tilespmem:$0x18C00] =	vst v63  }
0x9b: {  	_ =	swait.ge [sflag:s3], $0xC000  }
0x9c: {  	[sflag:s3] =	ssyncset.done $0x0  }
.LBB2_2:
0x9d: {  	[sflag:s3] =	ssyncadd.s32 $0xFFFF4000  }
0x9e: {  	_ =	sfence.sel $0x180000  }
0x9f: {  	[bflag:$0x0] =	sbarrier.arrive $0xFFFF  }
0xa0: {  	p0 =	sne.s32 s0, $0x0;
	_ =	strace $0x90000047  }
0xa1: {  	s0 =	sadd.s32 @!p0 $0x100000, s1;
	[bflag:$0x2] =	sbarrier.arrive $0xFFFF  }
0xa2: {  	[sflag:s0] =	ssyncadd.tile.s32 @!p0 $0x1;
	_ =	shalt  }
.Lfunc_end2:
_tile_overlayer_lowered:
.L_overlay_start_2:
0xa3: {  	(tag) =	ssettag $0x2  }
0xa4: {  	s0 =	rddreg [dreg:$0x0];
	s2 =	stileid.u32  }
0xa5: {  	s1 =	rddreg [dreg:$0x1];
	p0 =	sne.s32 s2, $0x0  }
0xa6: {  	s3 =	rddreg [dreg:$0x2];
	[bflag:$0x3] =	sbarrier.arrive $0xFFFF;
	s2 =	simm.s32 @!p0 $0x1C03  }
0xa7: {  	[timem:s3], [sflag:s2] =	dma.local @!p0 [hbm:s0], s1  }
0xa8: {  	s0 =	simm.s32 @!p0 $0x3  }
0xa9: {  	_ =	swait.ge @!p0 [sflag:s0], s1  }
0xaa: {  	s1 =	ssub.s32 @!p0 $0x0, s1;
	[sflag:s0] =	ssyncset.done @!p0 $0x0  }
0xab: {  	[sflag:s0] =	ssyncadd.s32 @!p0 s1  }
0xac: {  	[bflag:$0x3] =	sbarrier.arrive $0xFFFF  }
0xad: {  	_ =	shalt  }

// kernel: kernel.15.cloned.1.call-start
scs
__scs_entry_jumppad:
0x0: {  	(pc) =	sbr.rel $0x88, $3  }
0x1: {  	(tag) =	ssettag $0x0;
	lr =	simm.s32 $0x1  }
0x2: {  	[smem:$0x3F9B] =	sst lr;
	_ =	strace $0xD0000000  }
0x3: {  	_ = 	snop  }
0x4: {  	_ = 	snop  }
0x5: {  	_ = 	snop  }
0x6: {  	_ = 	snop  }
0x7: {  	_ = 	snop  }
__scs_overlays_trampoline_lowered:
0x8: {  	[smem:$0x3FAA] =	sst s0  }
0x9: {  	[smem:$0x3FAB] =	sst s1  }
0xa: {  	[smem:$0x3FAC] =	sst s2  }
0xb: {  	[smem:$0x3FAD] =	sst s3  }
0xc: {  	[smem:$0x3FAE] =	sst s4  }
0xd: {  	[smem:$0x3FAF] =	sst s5  }
0xe: {  	[smem:$0x3FB0] =	sst s6  }
0xf: {  	[smem:$0x3FB1] =	sst s7  }
0x10: {  	[smem:$0x3FB2] =	sst s8  }
0x11: {  	[smem:$0x3FB3] =	sst s9;
	s0 =	simm.s32 @!p0 $0x0  }
0x12: {  	s1 =	sld [smem:$0x3F99];
	s0 =	simm.s32 @p0 $0x1  }
0x13: {  	[smem:$0x3FB4] =	sst s0;
	s0 =	simm.s32 @!p1 $0x0  }
0x14: {  	s2 =	sld [smem:$0x3F98];
	s0 =	simm.s32 @p1 $0x1  }
0x15: {  	[smem:$0x3FB5] =	sst s0;
	s0 =	simm.s32 @!p2 $0x0  }
0x16: {  	s3 =	sld [smem:$0x3FDB];
	s0 =	simm.s32 @p2 $0x1  }
0x17: {  	s4 =	simm.s32 $0x1BF5;
	[smem:$0x3FB7] =	sst s0  }
0x18: {  	s0 =	sld [smem:$0x3F9A];
	_ =	swait.ge [sflag:s4], $0x0  }
0x19: {  	s7 =	sld [smem:$0x3F9B]  }
0x1a: {  	s8 =	sadd.s32 $0xFFFFE003, lr  }
0x1b: {  	s9 =	sadd.s32 $0xFFFFFEF7, lr;
	s5 =	simm.s32 $0xFFFFFFFF;
	p2 =	slt.u32 s8, $0xFFFFF086  }
0x1c: {  	p1 =	slt.u32 s9, $0xF7A;
	s5 =	simm.s32 @!p2 $0x0  }
0x1d: {  	s5 =	simm.s32 @p1 $0x1;
	p0 =	seq.s32 s7, s2  }
0x1e: {  	s7 =	smul.u32 @!p0 $0xF7A, s2;
	p2 =	seq.s32 @!p0 s5, $0x0  }
0x1f: {  	s9 =	smul.u32 $0xF7A, s1;
	s8 =	simm.s32 @!p0 $0x1BF5;
	p2 =	por !p2, p0  }
0x20: {  	[sflag:s8] =	ssyncset.s32 @!p0 $0xFFFFF086;
	s6 =	sadd.s32 @!p0 s3, s7;
	s7 =	simm.s32 @!p0 $0x108  }
0x21: {  	s3 =	sadd.s32 s3, s9;
	s6 =	sadd.s32 @!p0 $0x88, s6;
	s7 =	simm.s32 @p2 $0x1082  }
0x22: {  	[simem:s7], [sflag:s8] =	dma.local @!p0 [hbm:s6], $0xF7A  }
0x23: {  	s9 =	sor.u32 $0xD0000000, s2;
	s6 =	simm.s32 $0x108;
	_ =	swait.ge @!p0 [sflag:s8], $0x0  }
0x24: {  	s3 =	sadd.s32 $0x88, s3;
	s6 =	simm.s32 @!p1 $0x1082;
	[sflag:s4] =	ssyncset.s32 $0xFFFFF086  }
0x25: {  	[simem:s6], [sflag:s4] =	dma.local [hbm:s3], $0xF7A  }
0x26: {  	[smem:$0x3F9B] =	sst s1;
	(tag) =	ssettag s2;
	_ =	strace s9  }
0x27: {  	s1 =	sld [smem:$0x3FAB]  }
0x28: {  	s2 =	sld [smem:$0x3FAC]  }
0x29: {  	s4 =	sld [smem:$0x3FAE]  }
0x2a: {  	p0 =	seq.s32 s5, $0x0;
	s5 =	sld [smem:$0x3FAF]  }
0x2b: {  	s6 =	sld [smem:$0x3FB0]  }
0x2c: {  	s7 =	sld [smem:$0x3FB1]  }
0x2d: {  	s3 =	simm.s32 $0x108;
	s8 =	sld [smem:$0x3FB2]  }
0x2e: {  	s3 =	simm.s32 @!p0 $0x1082;
	s9 =	sld [smem:$0x3FB3]  }
0x2f: {  	lr =	sadd.s32 s0, s3;
	s0 =	sld [smem:$0x3FAA]  }
0x30: {  	s3 =	sld [smem:$0x3FAD]  }
0x31: {  	[smem:$0x3FB6] =	sst s10  }
0x32: {  	s10 =	sld [smem:$0x3FB4];
	_ =	sdelay $0x3  }
0x33: {  	p0 =	seq.s32 s10, $0x1;
	s10 =	sld [smem:$0x3FB6];
	_ =	sdelay $0x3  }
0x34: {  	[smem:$0x3FB6] =	sst s10  }
0x35: {  	s10 =	sld [smem:$0x3FB5];
	_ =	sdelay $0x3  }
0x36: {  	p1 =	seq.s32 s10, $0x1;
	s10 =	sld [smem:$0x3FB6];
	_ =	sdelay $0x3  }
0x37: {  	[smem:$0x3FB6] =	sst s10  }
0x38: {  	s10 =	sld [smem:$0x3FB7]  }
0x39: {  	_ = 	snop;
	(pc) =	sbr.ind lr, $3  }
0x3a: {  	_ = 	snop  }
0x3b: {  	_ = 	snop  }
0x3c: {  	p2 =	seq.s32 s10, $0x1;
	s10 =	sld [smem:$0x3FB6]  }
0x3d: {  	_ =	shalt  }
0x3e: {  	_ =	shalt  }
0x3f: {  	_ =	shalt  }
0x40: {  	_ =	shalt  }
0x41: {  	_ =	shalt  }
0x42: {  	_ =	shalt  }
0x43: {  	_ =	shalt  }
0x44: {  	_ =	shalt  }
0x45: {  	_ =	shalt  }
0x46: {  	_ =	shalt  }
0x47: {  	_ =	shalt  }
0x48: {  	_ =	shalt  }
0x49: {  	_ =	shalt  }
0x4a: {  	_ =	shalt  }
0x4b: {  	_ =	shalt  }
0x4c: {  	_ =	shalt  }
0x4d: {  	_ =	shalt  }
0x4e: {  	_ =	shalt  }
0x4f: {  	_ =	shalt  }
0x50: {  	_ =	shalt  }
0x51: {  	_ =	shalt  }
0x52: {  	_ =	shalt  }
0x53: {  	_ =	shalt  }
0x54: {  	_ =	shalt  }
0x55: {  	_ =	shalt  }
0x56: {  	_ =	shalt  }
0x57: {  	_ =	shalt  }
0x58: {  	_ =	shalt  }
0x59: {  	_ =	shalt  }
0x5a: {  	_ =	shalt  }
0x5b: {  	_ =	shalt  }
0x5c: {  	_ =	shalt  }
0x5d: {  	_ =	shalt  }
0x5e: {  	_ =	shalt  }
0x5f: {  	_ =	shalt  }
0x60: {  	_ =	shalt  }
0x61: {  	_ =	shalt  }
0x62: {  	_ =	shalt  }
0x63: {  	_ =	shalt  }
0x64: {  	_ =	shalt  }
0x65: {  	_ =	shalt  }
0x66: {  	_ =	shalt  }
0x67: {  	_ =	shalt  }
0x68: {  	_ =	shalt  }
0x69: {  	_ =	shalt  }
0x6a: {  	_ =	shalt  }
0x6b: {  	_ =	shalt  }
0x6c: {  	_ =	shalt  }
0x6d: {  	_ =	shalt  }
0x6e: {  	_ =	shalt  }
0x6f: {  	_ =	shalt  }
0x70: {  	_ =	shalt  }
0x71: {  	_ =	shalt  }
0x72: {  	_ =	shalt  }
0x73: {  	_ =	shalt  }
0x74: {  	_ =	shalt  }
0x75: {  	_ =	shalt  }
0x76: {  	_ =	shalt  }
0x77: {  	_ =	shalt  }
0x78: {  	_ =	shalt  }
0x79: {  	_ =	shalt  }
0x7a: {  	_ =	shalt  }
0x7b: {  	_ =	shalt  }
0x7c: {  	_ =	shalt  }
0x7d: {  	_ =	shalt  }
0x7e: {  	_ =	shalt  }
0x7f: {  	_ =	shalt  }
0x80: {  	_ =	shalt  }
0x81: {  	_ =	shalt  }
0x82: {  	_ =	shalt  }
0x83: {  	_ =	shalt  }
0x84: {  	_ =	shalt  }
0x85: {  	_ =	shalt  }
0x86: {  	_ =	shalt  }
0x87: {  	_ =	shalt  }
.Lfunc_end0:
.L_simem_size_0:
called_computation.1_lowered:
.L_overlay_start_0:
0x88: {  	s2 =	sld [smem:$0x3FD9]  }
0x89: {  	s3 =	sld [smem:$0x3FFE];
	_ =	sdelay $0x1  }
0x8a: {  	s1 =	srdreg.scid  }
0x8b: {  	s0 =	sand.u32 $0x1, s1  }
0x8c: {  	s17 =	sshll.u32 s0, $0xA;
	s2 =	sadd.s32 s3, s2  }
0x8d: {  	s2 =	sadd.s32 s2, s17  }
0x8e: {  	[smem:$0x3FC2] =	sst s2  }
0x8f: {  	_ = 	snop  }
0x90: {  	(tm) =	ssettm $0x1  }
0x91: {  	s18 =	sld [smem:$0x3FFB];
	_ =	sdelay $0x3  }
0x92: {  	_ =	strace s18  }
0x93: {  	s2 =	sld [smem:$0x3FFC];
	_ =	sdelay $0x3  }
0x94: {  	_ =	strace s2  }
0x95: {  	s2 =	sld [smem:$0x3FFD];
	_ =	sdelay $0x3  }
0x96: {  	_ =	strace s2  }
0x97: {  	_ =	strace $0x8FFFFFFF  }
0x98: {  	s19 =	sld [smem:$0x3FDB];
	_ =	sdelay $0x1  }
0x99: {  	s20 =	simm.s32 $_scs_section_size  }
0x9a: {  	s4 =	simm.s32 $_size__tile_overlayer_lowered;
	s5 =	simm.s32 $_tile_overlayer_lowered  }
0x9b: {  	s6 =	simm.s32 $0x1BFF;
	s21 =	sshll.u32 s5, $0x1;
	s3 =	sadd.s32 s20, s19  }
0x9c: {  	s22 =	simm.s32 $0x0;
	s4 =	sshll.u32 s4, $0x1;
	s5 =	sadd.s32 s21, s3  }
0x9d: {  	[timem:s22], [sflag:s6] =	dma.local [hbm:s5], s4  }
0x9e: {  	_ =	swait.ge [sflag:s6], s4  }
0x9f: {  	s4 =	ssub.s32 $0x0, s4;
	[sflag:s6] =	ssyncset.done $0x0  }
0xa0: {  	[sflag:s6] =	ssyncadd.s32 s4;
	_ =	sdelay $0x1  }
0xa1: {  	s23 =	simm.s32 $0x1B8B  }
0xa2: {  	_ =	swait.ge [sflag:s23], $0x1  }
0xa3: {  	[sflag:s23] =	ssyncset.done $0x0  }
0xa4: {  	[sflag:s23] =	ssyncadd.s32 $0xFFFFFFFF  }
0xa5: {  	s4 =	sld [smem:$0x0]  }
0xa6: {  	s5 =	sand.u32 $0xFFFFFFFE, s1  }
0xa7: {  	p0 =	sne.s32 s1, s5  }
0xa8: {  	s5 =	sshll.u32 @p0 s5, $0xE  }
0xa9: {  	s5 =	sadd.s32 @p0 $0x11B8D, s5;
	s6 =	sshll.u32 @p0 s4, $0x11  }
0xaa: {  	s5 =	sor.u32 @p0 s6, s5  }
0xab: {  	[sflag:s5] =	ssyncadd.remote.s32 @p0 $0x1;
	_ =	sdelay $0x1  }
0xac: {  	s5 =	simm.s32 @p0 $0x1B8D  }
0xad: {  	_ =	swait.eq @p0 [sflag:s5], $0x1  }
0xae: {  	[sflag:s5] =	ssyncadd.s32 @p0 $0xFFFFFFFF  }
0xaf: {  	s6 =	sshll.u32 @!p0 s1, $0xE  }
0xb0: {  	s6 =	sor.u32 @!p0 $0x4000, s6;
	s5 =	simm.s32 @!p0 $0x1B8D  }
0xb1: {  	s4 =	sshll.u32 @!p0 s4, $0x11;
	s6 =	sadd.s32 @!p0 $0x11B8D, s6;
	_ =	swait.eq @!p0 [sflag:s5], $0x1  }
0xb2: {  	s4 =	sor.u32 @!p0 s4, s6;
	[sflag:s5] =	ssyncadd.s32 @!p0 $0xFFFFFFFF  }
0xb3: {  	s25 =	simm.s32 $0x1B8E;
	s24 =	sld [smem:$0x3FFE];
	[sflag:s4] =	ssyncadd.remote.s32 @!p0 $0x1  }
0xb4: {  	s26 =	simm.s32 $execute0_lowered;
	[smem:$0x3FD2] =	sst s25  }
0xb5: {  	s5 =	sshll.u32 s26, $0x1;
	_ =	strace $0x80000049;
	[dreg:$0x1] =	wrdreg $0xFFFFFFFF  }
0xb6: {  	s28 =	simm.s32 $_size_execute0_lowered;
	s3 =	sadd.s32 s3, s5;
	[dreg:$0x0] =	wrdreg $0x0  }
0xb7: {  	s5 =	sshll.u32 s28, $0x1;
	[dreg:$0x2] =	wrdreg s3  }
0xb8: {  	[dreg:$0x3] =	wrdreg s5  }
0xb9: {  	[dreg:$0x4] =	wrdreg $0xC0  }
0xba: {  	_ =	task [dreg:s22], $0x5FFFF  }
0xbb: {  	[dreg:$0x1] =	wrdreg $0xFFFFFFFF  }
0xbc: {  	[dreg:$0x0] =	wrdreg $0x60  }
0xbd: {  	[dreg:$0x2] =	wrdreg s24  }
0xbe: {  	[dreg:$0x3] =	wrdreg $0xA  }
0xbf: {  	_ =	task.clear_ibuf [dreg:s22], $0x4FFFF;
	_ =	strace $0x90000049  }
0xc0: {  	s29 =	simm.s32 $0xA;
	_ =	strace $0x8000004B  }
0xc1: {  	_ =	swait.ge [sflag:s29], $0x1  }
0xc2: {  	[sflag:s29] =	ssyncadd.s32 $0xFFFFFFFF  }
0xc3: {  	_ =	strace $0x9000004B  }
0xc4: {  	_ =	sfence  }
0xc5: {  	s30 =	sld [smem:$0x0];
	_ =	sdelay $0x2  }
0xc6: {  	s31 =	sshll.u32 s1, $0xD;
	s1 =	sshrl.u32 s1, $0x2  }
0xc7: {  	s4 =	sand.u32 $0x4000, s31;
	s1 =	sadd.s32 s1, s30  }
0xc8: {  	s0 =	sor.u32 s4, s0;
	s1 =	sshll.u32 s1, $0x11  }
0xc9: {  	s0 =	sor.u32 s1, s0  }
0xca: {  	s0 =	sadd.s32 $0x8F2B, s0  }
0xcb: {  	[sflag:s0] =	ssyncadd.remote.s32 $0x1  }
0xcc: {  	_ =	sfence.sel $0xFFFF  }
0xcd: {  	[dreg:$0x0] =	wrdreg $0xFFFFFFFF;
	(pc) =	sbr.abs _section_cstart, $3  }
0xce: {  	[dreg:$0x1] =	wrdreg $0xFFFFFFFF  }
0xcf: {  	_ =	task.clear_ibuf [dreg:s22], $0x2FFFF;
	_ =	strace $0x9FFFFFFF  }
0xd0: {  	(tm) =	ssettm $0x7FFFFFFF  }
0xd1: {  	_ =	shalt  }
tec
execute0_lowered:
.L_overlay_start_1:
0x0: {  	(tag) =	ssettag $0x1  }
0x1: {  	s1 =	srdreg.scid;
	s0 =	stileid.u32  }
0x2: {  	s24 =	sand.u32 $0x1, s1;
	s30 =	sshll.u32 s0, $0x1  }
0x3: {  	s16 =	sor.u32 s24, s30  }
0x4: {  	s9 =	rddreg [dreg:$0x0];
	s3 =	smul.u32 $0x180, s16  }
0x5: {  	s2 =	simm.s32 $0x0;
	s1 =	rddreg [dreg:$0x1]  }
0x6: {  	[smem:$0x7FF] =	sst s2;
	s3 =	sadd.s32 s3, s9  }
0x7: {  	_ =	strace $0x8000004A;
	s4 =	sadd.s32 $0x257000, s3;
	s3 =	simm.s32 $0x3  }
0x8: {  	[tilespmem:s2], [sflag:$0x3] =	stream.linear.gather [hbm4b:s4+s2], $0xC00, $0x38;
	[tilespmem:$0x18C00] =	vst v63  }
0x9: {  	_ =	swait.ge [sflag:s3], $0xC00  }
0xa: {  	s6 =	simm.s32 $0x180;
	s7 =	simm.s32 $0xC00;
	[sflag:s3] =	ssyncset.done $0x0  }
0xb: {  	s8 =	simm.s32 $0x1;
	s5 =	sadd.s32 $0x87000, s9;
	[sflag:s3] =	ssyncadd.s32 $0xFFFFF400  }
0xc: {  	[tilespmem:s7], [sflag:$0x1] =	stream.indirect.gather [hbm4b:s5+s6], $0x80, s2, s6, $0xb8;
	[tilespmem:$0x18C00] =	vst v63  }
0xd: {  	_ =	swait.ge [sflag:s8], $0xC000  }
0xe: {  	s17 =	sadd.s32 $0x25A000, s9;
	[sflag:s8] =	ssyncset.done $0x0  }
0xf: {  	s10 =	smul.u32 $0xC000, s16;
	s9 =	simm.s32 $0xCC00;
	[sflag:s8] =	ssyncadd.s32 $0xFFFF4000  }
0x10: {  	[tilespmem:s9], [sflag:$0x2] =	stream.indirect.gather [hbm4b:s5+s6], $0x80, s6, s6, $0xb8;
	[tilespmem:$0x18C00] =	vst v63  }
0x11: {  	s10 =	sadd.s32 s17, s10  }
0x12: {  	[hbm4b:s10+s2] =	stream.linear.scatter [tilespmem:s7], [sflag:$0x3], $0xC000, $0x38;
	[tilespmem:$0x18C00] =	vst v63  }
0x13: {  	_ =	swait.ge [sflag:s3], $0xC000  }
0x14: {  	[sflag:s3] =	ssyncset.done $0x0  }
0x15: {  	s11 =	simm.s32 $0x2;
	[sflag:s3] =	ssyncadd.s32 $0xFFFF4000  }
0x16: {  	_ =	swait.ge [sflag:s11], $0xC000  }
0x17: {  	[sflag:s11] =	ssyncset.done $0x0  }
0x18: {  	s12 =	simm.s32 $0x300;
	[sflag:s11] =	ssyncadd.s32 $0xFFFF4000  }
0x19: {  	[tilespmem:s7], [sflag:$0x1] =	stream.indirect.gather [hbm4b:s5+s6], $0x80, s12, s6, $0xb8;
	[tilespmem:$0x18C00] =	vst v63  }
0x1a: {  	s13 =	sadd.s32 $0x1800, s10  }
0x1b: {  	[hbm4b:s13+s2] =	stream.linear.scatter [tilespmem:s9], [sflag:$0x3], $0xC000, $0x38;
	[tilespmem:$0x18C00] =	vst v63  }
0x1c: {  	_ =	swait.ge [sflag:s3], $0xC000  }
0x1d: {  	[sflag:s3] =	ssyncset.done $0x0  }
0x1e: {  	[sflag:s3] =	ssyncadd.s32 $0xFFFF4000  }
0x1f: {  	_ =	swait.ge [sflag:s8], $0xC000  }
0x20: {  	[sflag:s8] =	ssyncset.done $0x0  }
0x21: {  	s14 =	simm.s32 $0x480;
	[sflag:s8] =	ssyncadd.s32 $0xFFFF4000  }
0x22: {  	[tilespmem:s9], [sflag:$0x2] =	stream.indirect.gather [hbm4b:s5+s6], $0x80, s14, s6, $0xb8;
	[tilespmem:$0x18C00] =	vst v63  }
0x23: {  	s15 =	sadd.s32 $0x3000, s10  }
0x24: {  	[hbm4b:s15+s2] =	stream.linear.scatter [tilespmem:s7], [sflag:$0x3], $0xC000, $0x38;
	[tilespmem:$0x18C00] =	vst v63  }
0x25: {  	_ =	swait.ge [sflag:s3], $0xC000  }
0x26: {  	[sflag:s3] =	ssyncset.done $0x0  }
0x27: {  	s16 =	smul.u32 $0x60000, s16;
	[sflag:s3] =	ssyncadd.s32 $0xFFFF4000  }
0x28: {  	_ =	swait.ge [sflag:s11], $0xC000  }
0x29: {  	s16 =	sshrl.u32 s16, $0x3;
	[sflag:s11] =	ssyncset.done $0x0  }
0x2a: {  	s25 =	sadd.s32 s17, s16;
	s16 =	simm.s32 $0x600;
	[sflag:s11] =	ssyncadd.s32 $0xFFFF4000  }
0x2b: {  	[tilespmem:s7], [sflag:$0x1] =	stream.indirect.gather [hbm4b:s5+s6], $0x80, s16, s6, $0xb8;
	[tilespmem:$0x18C00] =	vst v63  }
0x2c: {  	s17 =	sadd.s32 $0x4800, s25  }
0x2d: {  	[hbm4b:s17+s2] =	stream.linear.scatter [tilespmem:s9], [sflag:$0x3], $0xC000, $0x38;
	[tilespmem:$0x18C00] =	vst v63  }
0x2e: {  	_ =	swait.ge [sflag:s3], $0xC000  }
0x2f: {  	[sflag:s3] =	ssyncset.done $0x0  }
0x30: {  	[sflag:s3] =	ssyncadd.s32 $0xFFFF4000  }
0x31: {  	_ =	swait.ge [sflag:s8], $0xC000  }
0x32: {  	[sflag:s8] =	ssyncset.done $0x0  }
0x33: {  	s18 =	simm.s32 $0x780;
	[sflag:s8] =	ssyncadd.s32 $0xFFFF4000  }
0x34: {  	[tilespmem:s9], [sflag:$0x2] =	stream.indirect.gather [hbm4b:s5+s6], $0x80, s18, s6, $0xb8;
	[tilespmem:$0x18C00] =	vst v63  }
0x35: {  	s19 =	sadd.s32 $0x6000, s25  }
0x36: {  	[hbm4b:s19+s2] =	stream.linear.scatter [tilespmem:s7], [sflag:$0x3], $0xC000, $0x38;
	[tilespmem:$0x18C00] =	vst v63  }
0x37: {  	_ =	swait.ge [sflag:s3], $0xC000  }
0x38: {  	[sflag:s3] =	ssyncset.done $0x0  }
0x39: {  	[sflag:s3] =	ssyncadd.s32 $0xFFFF4000  }
0x3a: {  	_ =	swait.ge [sflag:s11], $0xC000  }
0x3b: {  	[sflag:s11] =	ssyncset.done $0x0  }
0x3c: {  	s20 =	simm.s32 $0x900;
	[sflag:s11] =	ssyncadd.s32 $0xFFFF4000  }
0x3d: {  	[tilespmem:s7], [sflag:$0x1] =	stream.indirect.gather [hbm4b:s5+s6], $0x80, s20, s6, $0xb8;
	[tilespmem:$0x18C00] =	vst v63  }
0x3e: {  	s21 =	sadd.s32 $0x7800, s25  }
0x3f: {  	[hbm4b:s21+s2] =	stream.linear.scatter [tilespmem:s9], [sflag:$0x3], $0xC000, $0x38;
	[tilespmem:$0x18C00] =	vst v63  }
0x40: {  	_ =	swait.ge [sflag:s3], $0xC000  }
0x41: {  	[sflag:s3] =	ssyncset.done $0x0  }
0x42: {  	[sflag:s3] =	ssyncadd.s32 $0xFFFF4000  }
0x43: {  	_ =	swait.ge [sflag:s8], $0xC000  }
0x44: {  	[sflag:s8] =	ssyncset.done $0x0  }
0x45: {  	s22 =	simm.s32 $0xA80;
	[sflag:s8] =	ssyncadd.s32 $0xFFFF4000  }
0x46: {  	[tilespmem:s9], [sflag:$0x2] =	stream.indirect.gather [hbm4b:s5+s6], $0x80, s22, s6, $0xb8;
	[tilespmem:$0x18C00] =	vst v63  }
0x47: {  	s24 =	ssub.s32 $0x2, s24;
	s23 =	sadd.s32 $0x9000, s25  }
0x48: {  	[hbm4b:s23+s2] =	stream.linear.scatter [tilespmem:s7], [sflag:$0x3], $0xC000, $0x38;
	[tilespmem:$0x18C00] =	vst v63  }
0x49: {  	s26 =	sshrl.u32 s24, $0x1;
	_ =	swait.ge [sflag:s3], $0xC000  }
0x4a: {  	s26 =	ssub.s32 s24, s26;
	[sflag:s3] =	ssyncset.done $0x0  }
0x4b: {  	s31 =	smax.u32 s26, $0x1;
	[sflag:s3] =	ssyncadd.s32 $0xFFFF4000  }
0x4c: {  	p0 =	sne.s32 s31, $0x1;
	_ =	swait.ge [sflag:s11], $0xC000  }
.Ltmp0:
0x4d: {  	[sflag:s11] =	ssyncset.done $0x0;
	(pc) =	sbr.rel @!p0 .LBB2_2-.Ltmp0, $4  }
0x4e: {  	s24 =	sadd.s32 $0xA800, s25;
	[sflag:s11] =	ssyncadd.s32 $0xFFFF4000  }
0x4f: {  	[hbm4b:s24+s2] =	stream.linear.scatter [tilespmem:s9], [sflag:$0x3], $0xC000, $0x38;
	[tilespmem:$0x18C00] =	vst v63  }
0x50: {  	_ =	swait.ge [sflag:s3], $0xC000  }
0x51: {  	s25 =	sadd.s32 $0xFFFFFFFF, s31;
	[sflag:s3] =	ssyncset.done $0x0  }
.LBB2_1:
0x52: {  	p0 =	sne.s32 s25, $0x1;
	s25 =	sadd.s32 $0xFFFFFFFF, s25;
	[sflag:s3] =	ssyncadd.s32 $0xFFFF4000  }
0x53: {  	[tilespmem:s2], [sflag:$0x3] =	stream.linear.gather [hbm4b:s4+s2], $0xC00, $0x38;
	[tilespmem:$0x18C00] =	vst v63  }
0x54: {  	_ =	swait.ge [sflag:s3], $0xC00  }
0x55: {  	[sflag:s3] =	ssyncset.done $0x0  }
0x56: {  	[sflag:s3] =	ssyncadd.s32 $0xFFFFF400  }
0x57: {  	[tilespmem:s7], [sflag:$0x1] =	stream.indirect.gather [hbm4b:s5+s6], $0x80, s2, s6, $0xb8;
	[tilespmem:$0x18C00] =	vst v63  }
0x58: {  	_ =	swait.ge [sflag:s8], $0xC000  }
0x59: {  	[sflag:s8] =	ssyncset.done $0x0  }
0x5a: {  	[sflag:s8] =	ssyncadd.s32 $0xFFFF4000  }
0x5b: {  	[tilespmem:s9], [sflag:$0x2] =	stream.indirect.gather [hbm4b:s5+s6], $0x80, s6, s6, $0xb8;
	[tilespmem:$0x18C00] =	vst v63  }
0x5c: {  	_ = 	snop  }
0x5d: {  	[hbm4b:s10+s2] =	stream.linear.scatter [tilespmem:s7], [sflag:$0x3], $0xC000, $0x38;
	[tilespmem:$0x18C00] =	vst v63  }
0x5e: {  	_ =	swait.ge [sflag:s3], $0xC000  }
0x5f: {  	[sflag:s3] =	ssyncset.done $0x0  }
0x60: {  	[sflag:s3] =	ssyncadd.s32 $0xFFFF4000  }
0x61: {  	_ =	swait.ge [sflag:s11], $0xC000  }
0x62: {  	[sflag:s11] =	ssyncset.done $0x0  }
0x63: {  	[sflag:s11] =	ssyncadd.s32 $0xFFFF4000  }
0x64: {  	[tilespmem:s7], [sflag:$0x1] =	stream.indirect.gather [hbm4b:s5+s6], $0x80, s12, s6, $0xb8;
	[tilespmem:$0x18C00] =	vst v63  }
0x65: {  	_ = 	snop  }
0x66: {  	[hbm4b:s13+s2] =	stream.linear.scatter [tilespmem:s9], [sflag:$0x3], $0xC000, $0x38;
	[tilespmem:$0x18C00] =	vst v63  }
0x67: {  	_ =	swait.ge [sflag:s3], $0xC000  }
0x68: {  	[sflag:s3] =	ssyncset.done $0x0  }
0x69: {  	[sflag:s3] =	ssyncadd.s32 $0xFFFF4000  }
0x6a: {  	_ =	swait.ge [sflag:s8], $0xC000  }
0x6b: {  	[sflag:s8] =	ssyncset.done $0x0  }
0x6c: {  	[sflag:s8] =	ssyncadd.s32 $0xFFFF4000  }
0x6d: {  	[tilespmem:s9], [sflag:$0x2] =	stream.indirect.gather [hbm4b:s5+s6], $0x80, s14, s6, $0xb8;
	[tilespmem:$0x18C00] =	vst v63  }
0x6e: {  	_ = 	snop  }
0x6f: {  	[hbm4b:s15+s2] =	stream.linear.scatter [tilespmem:s7], [sflag:$0x3], $0xC000, $0x38;
	[tilespmem:$0x18C00] =	vst v63  }
0x70: {  	_ =	swait.ge [sflag:s3], $0xC000  }
0x71: {  	[sflag:s3] =	ssyncset.done $0x0  }
0x72: {  	[sflag:s3] =	ssyncadd.s32 $0xFFFF4000  }
0x73: {  	_ =	swait.ge [sflag:s11], $0xC000  }
0x74: {  	[sflag:s11] =	ssyncset.done $0x0  }
0x75: {  	[sflag:s11] =	ssyncadd.s32 $0xFFFF4000  }
0x76: {  	[tilespmem:s7], [sflag:$0x1] =	stream.indirect.gather [hbm4b:s5+s6], $0x80, s16, s6, $0xb8;
	[tilespmem:$0x18C00] =	vst v63  }
0x77: {  	_ = 	snop  }
0x78: {  	[hbm4b:s17+s2] =	stream.linear.scatter [tilespmem:s9], [sflag:$0x3], $0xC000, $0x38;
	[tilespmem:$0x18C00] =	vst v63  }
0x79: {  	_ =	swait.ge [sflag:s3], $0xC000  }
0x7a: {  	[sflag:s3] =	ssyncset.done $0x0  }
0x7b: {  	[sflag:s3] =	ssyncadd.s32 $0xFFFF4000  }
0x7c: {  	_ =	swait.ge [sflag:s8], $0xC000  }
0x7d: {  	[sflag:s8] =	ssyncset.done $0x0  }
0x7e: {  	[sflag:s8] =	ssyncadd.s32 $0xFFFF4000  }
0x7f: {  	[tilespmem:s9], [sflag:$0x2] =	stream.indirect.gather [hbm4b:s5+s6], $0x80, s18, s6, $0xb8;
	[tilespmem:$0x18C00] =	vst v63  }
0x80: {  	_ = 	snop  }
0x81: {  	[hbm4b:s19+s2] =	stream.linear.scatter [tilespmem:s7], [sflag:$0x3], $0xC000, $0x38;
	[tilespmem:$0x18C00] =	vst v63  }
0x82: {  	_ =	swait.ge [sflag:s3], $0xC000  }
0x83: {  	[sflag:s3] =	ssyncset.done $0x0  }
0x84: {  	[sflag:s3] =	ssyncadd.s32 $0xFFFF4000  }
0x85: {  	_ =	swait.ge [sflag:s11], $0xC000  }
0x86: {  	[sflag:s11] =	ssyncset.done $0x0  }
0x87: {  	[sflag:s11] =	ssyncadd.s32 $0xFFFF4000  }
0x88: {  	[tilespmem:s7], [sflag:$0x1] =	stream.indirect.gather [hbm4b:s5+s6], $0x80, s20, s6, $0xb8;
	[tilespmem:$0x18C00] =	vst v63  }
0x89: {  	_ = 	snop  }
0x8a: {  	[hbm4b:s21+s2] =	stream.linear.scatter [tilespmem:s9], [sflag:$0x3], $0xC000, $0x38;
	[tilespmem:$0x18C00] =	vst v63  }
0x8b: {  	_ =	swait.ge [sflag:s3], $0xC000  }
0x8c: {  	[sflag:s3] =	ssyncset.done $0x0  }
0x8d: {  	[sflag:s3] =	ssyncadd.s32 $0xFFFF4000  }
0x8e: {  	_ =	swait.ge [sflag:s8], $0xC000  }
0x8f: {  	[sflag:s8] =	ssyncset.done $0x0  }
0x90: {  	[sflag:s8] =	ssyncadd.s32 $0xFFFF4000  }
0x91: {  	[tilespmem:s9], [sflag:$0x2] =	stream.indirect.gather [hbm4b:s5+s6], $0x80, s22, s6, $0xb8;
	[tilespmem:$0x18C00] =	vst v63  }
0x92: {  	_ = 	snop  }
0x93: {  	[hbm4b:s23+s2] =	stream.linear.scatter [tilespmem:s7], [sflag:$0x3], $0xC000, $0x38;
	[tilespmem:$0x18C00] =	vst v63  }
0x94: {  	_ =	swait.ge [sflag:s3], $0xC000  }
0x95: {  	[sflag:s3] =	ssyncset.done $0x0  }
0x96: {  	[sflag:s3] =	ssyncadd.s32 $0xFFFF4000  }
0x97: {  	_ =	swait.ge [sflag:s11], $0xC000  }
.Ltmp1:
0x98: {  	[sflag:s11] =	ssyncset.done $0x0;
	(pc) =	sbr.rel @p0 .LBB2_1-.Ltmp1, $4  }
0x99: {  	[sflag:s11] =	ssyncadd.s32 $0xFFFF4000  }
0x9a: {  	[hbm4b:s24+s2] =	stream.linear.scatter [tilespmem:s9], [sflag:$0x3], $0xC000, $0x38;
	[tilespmem:$0x18C00] =	vst v63  }
0x9b: {  	_ =	swait.ge [sflag:s3], $0xC000  }
0x9c: {  	[sflag:s3] =	ssyncset.done $0x0  }
.LBB2_2:
0x9d: {  	[sflag:s3] =	ssyncadd.s32 $0xFFFF4000  }
0x9e: {  	_ =	sfence.sel $0x180000  }
0x9f: {  	[bflag:$0x0] =	sbarrier.arrive $0xFFFF  }
0xa0: {  	p0 =	sne.s32 s0, $0x0;
	_ =	strace $0x9000004A  }
0xa1: {  	s0 =	sadd.s32 @!p0 $0x100000, s1;
	[bflag:$0x2] =	sbarrier.arrive $0xFFFF  }
0xa2: {  	[sflag:s0] =	ssyncadd.tile.s32 @!p0 $0x1;
	_ =	shalt  }
.Lfunc_end2:
_tile_overlayer_lowered:
.L_overlay_start_2:
0xa3: {  	(tag) =	ssettag $0x2  }
0xa4: {  	s0 =	rddreg [dreg:$0x0];
	s2 =	stileid.u32  }
0xa5: {  	s1 =	rddreg [dreg:$0x1];
	p0 =	sne.s32 s2, $0x0  }
0xa6: {  	s3 =	rddreg [dreg:$0x2];
	[bflag:$0x3] =	sbarrier.arrive $0xFFFF;
	s2 =	simm.s32 @!p0 $0x1C03  }
0xa7: {  	[timem:s3], [sflag:s2] =	dma.local @!p0 [hbm:s0], s1  }
0xa8: {  	s0 =	simm.s32 @!p0 $0x3  }
0xa9: {  	_ =	swait.ge @!p0 [sflag:s0], s1  }
0xaa: {  	s1 =	ssub.s32 @!p0 $0x0, s1;
	[sflag:s0] =	ssyncset.done @!p0 $0x0  }
0xab: {  	[sflag:s0] =	ssyncadd.s32 @!p0 s1  }
0xac: {  	[bflag:$0x3] =	sbarrier.arrive $0xFFFF  }
0xad: {  	_ =	shalt  }

</sc_bundles>
